<compile_context>
chip_gen: v7x
topology: tpu7x:2x2x1
jax: 0.10.2.dev20260603
libtpu: 0.0.44.dev20260713+nightly
codegen_flags: <defaults>
</compile_context>

<pallas_src>
import jax
import jax.numpy as jnp
from jax import lax
from jax.experimental import pallas as pl
from jax.experimental.pallas import tpu as pltpu
from jax.experimental.pallas import tpu_sc as plsc

_N = 10000
_NP = 10240
_E = 320000
_DIN = 128
_D2 = 256
_DQ = 64
_NQ = 4
_NC = 2
_NS = 16
_NW = _NC * _NS
_RPT = _NP // _NS
_KA = 80
_CA = (_E // _NW) // _KA
_KC = 125
_CC = (_E // _NS) // _KC
_BN = 1000
_NB = _N // _BN

def _make_mesh():
    return plsc.VectorSubcoreMesh(core_axis_name="c", subcore_axis_name="s",
                                  num_cores=_NC, num_subcores=_NS)


def _deg_body(src_hbm, deg_hbm, idx_v, ones_v, zero_v, deg_sh):
    c = lax.axis_index("c")
    s = lax.axis_index("s")
    w = c * _NS + s
    one16 = jnp.ones((16,), jnp.float32)
    zero16 = jnp.zeros((16,), jnp.float32)

    def _fill_ones(i, carry):
        ones_v[i] = one16
        return carry

    lax.fori_loop(0, _KA, _fill_ones, None)

    def _fill_zero(i, carry):
        zero_v[i] = zero16
        return carry

    lax.fori_loop(0, _RPT, _fill_zero, None)
    pltpu.sync_copy(zero_v, deg_sh.at[pl.ds(s * _RPT, _RPT)])
    pltpu.sync_copy(src_hbm.at[w], idx_v)
    plsc.subcore_barrier()

    def _chunk(j, carry):
        pltpu.sync_copy(ones_v, deg_sh.at[idx_v.at[j]], add=True)
        return carry

    lax.fori_loop(0, _CA, _chunk, None)
    plsc.subcore_barrier()
    pltpu.sync_copy(deg_sh.at[pl.ds(s * _RPT, _RPT)],
                    deg_hbm.at[c, pl.ds(s * _RPT, _RPT)])


def _deg_call(*args):
    return pl.kernel(
        _deg_body,
        out_type=jax.ShapeDtypeStruct((_NC, _NP, 16), jnp.float32),
        mesh=_make_mesh(),
        compiler_params=pltpu.CompilerParams(use_tc_tiling_on_sc=False),
        scratch_types=[
            pltpu.VMEM((_CA, _KA), jnp.int32),
            pltpu.VMEM((_KA, 16), jnp.float32),
            pltpu.VMEM((_RPT, 16), jnp.float32),
            pltpu.VMEM_SHARED((_NP, 16), jnp.float32),
        ],
    )(*args)


def _mm_body(x_ref, w_ref, deg_ref, g4_ref):
    h = jnp.dot(x_ref[...], w_ref[...], preferred_element_type=jnp.float32)
    deg = deg_ref[0, :, 0:1] + deg_ref[1, :, 0:1] + 1.0
    g = lax.rsqrt(deg) * h
    for q in range(_NQ):
        g4_ref[q] = g[:, q * _DQ:(q + 1) * _DQ]


_mm_call = pl.pallas_call(
    _mm_body,
    grid=(_NB,),
    in_specs=[
        pl.BlockSpec((_BN, _DIN), lambda i: (i, 0)),
        pl.BlockSpec((_DIN, _D2), lambda i: (0, 0)),
        pl.BlockSpec((_NC, _BN, 16), lambda i: (0, i, 0)),
    ],
    out_specs=pl.BlockSpec((_NQ, _BN, _DQ), lambda i: (0, i, 0)),
    out_shape=jax.ShapeDtypeStruct((_NQ, _NP, _DQ), jnp.float32),
)


def _msg_body(g4_hbm, src_hbm, dst_hbm, zeros_hbm, acc_hbm,
              src_v, dst_v, r0, r1, r2, r3, acc_sh,
              g0, g1, g2, g3, s0, s1, s2, s3):
    c = lax.axis_index("c")
    s = lax.axis_index("s")
    rows = (r0, r1, r2, r3)
    gsem = (g0, g1, g2, g3)
    ssem = (s0, s1, s2, s3)
    pltpu.sync_copy(src_hbm.at[s], src_v)
    pltpu.sync_copy(dst_hbm.at[s], dst_v)

    for q in range(2):
        qg = c * 2 + q
        pltpu.sync_copy(zeros_hbm.at[pl.ds(s * _RPT, _RPT)],
                        acc_sh.at[pl.ds(s * _RPT, _RPT)])
        plsc.subcore_barrier()

        tbl = g4_hbm.at[qg]
        for b in range(3):
            pltpu.async_copy(tbl.at[src_v.at[b]], rows[b], gsem[b])

        def _step(t, carry):
            for b in range(4):
                j = 4 * t + b
                pltpu.make_async_copy(tbl.at[src_v.at[j]],
                                      rows[b], gsem[b]).wait()
                pltpu.async_copy(rows[b], acc_sh.at[dst_v.at[j]],
                                 ssem[b], add=True)
                jn = j + 3
                bn = (b + 3) % 4
                cond = jn < _CC if b else jnp.logical_and(t > 0, jn < _CC)

                @pl.when(cond)
                def _():
                    pltpu.make_async_copy(
                        rows[bn], acc_sh.at[dst_v.at[j - 1]],
                        ssem[bn]).wait()
                    pltpu.async_copy(tbl.at[src_v.at[jn]],
                                     rows[bn], gsem[bn])
                if b == 0:
                    @pl.when(t == 0)
                    def _():
                        pltpu.async_copy(tbl.at[src_v.at[3]],
                                         rows[3], gsem[3])
            return carry

        lax.fori_loop(0, _CC // 4, _step, None)
        for b in range(4):
            pltpu.make_async_copy(rows[b],
                                  acc_sh.at[dst_v.at[_CC - 4 + b]],
                                  ssem[b]).wait()
        plsc.subcore_barrier()
        pltpu.sync_copy(acc_sh.at[pl.ds(s * _RPT, _RPT)],
                        acc_hbm.at[qg, pl.ds(s * _RPT, _RPT)])
        plsc.subcore_barrier()


def _msg_call(*args):
    return pl.kernel(
        _msg_body,
        out_type=jax.ShapeDtypeStruct((_NQ, _NP, _DQ), jnp.float32),
        mesh=_make_mesh(),
        compiler_params=pltpu.CompilerParams(use_tc_tiling_on_sc=False),
        scratch_types=[
            pltpu.VMEM((_CC, _KC), jnp.int32),
            pltpu.VMEM((_CC, _KC), jnp.int32),
        ] + [pltpu.VMEM((_KC, _DQ), jnp.float32)] * 4 + [
            pltpu.VMEM_SHARED((_NP, _DQ), jnp.float32),
        ] + [pltpu.SemaphoreType.DMA] * 8,
    )(*args)


def _fin_body(acc_ref, g_ref, deg_ref, b_ref,
              a1_refs, a2_refs, a3_refs, a4_refs,
              bb1, bb2, bb3, bb4, o1, o2, o3, o4, s_acc):
    i = pl.program_id(0)
    deg = deg_ref[0, :, 0:1] + deg_ref[1, :, 0:1] + 1.0
    dinv = lax.rsqrt(deg)

    @pl.when(i == 0)
    def _():
        s_acc[...] = jnp.zeros_like(s_acc)

    for q in range(_NQ):
        t = jnp.maximum(
            dinv * (acc_ref[q] + g_ref[q]) + b_ref[q:q + 1, :], 0.0)
        s_acc[q:q + 1, :] += jnp.sum(t, axis=0, keepdims=True)

    @pl.when(i == _NB - 1)
    def _():
        def head(a_refs, bb):
            r = bb[...]
            for q in range(_NQ):
                r = r + jnp.dot(s_acc[q:q + 1, :], a_refs[q][...],
                                preferred_element_type=jnp.float32)
            return jnp.tanh(r)

        o1[...] = head(a1_refs, bb1)
        o2[...] = head(a2_refs, bb2)
        o3[...] = head(a3_refs, bb3)
        o4[...] = head(a4_refs, bb4)


def _fin_wrap(acc_ref, g_ref, deg_ref, b_ref,
              a10, a11, a12, a13, a20, a21, a22, a23,
              a30, a31, a32, a33, a40, a41, a42, a43,
              bb1, bb2, bb3, bb4, o1, o2, o3, o4, s_acc):
    _fin_body(acc_ref, g_ref, deg_ref, b_ref,
              (a10, a11, a12, a13), (a20, a21, a22, a23),
              (a30, a31, a32, a33), (a40, a41, a42, a43),
              bb1, bb2, bb3, bb4, o1, o2, o3, o4, s_acc)


def _const_spec(shape):
    return pl.BlockSpec(shape, lambda i: tuple(0 for _ in shape))


_fin_call = pl.pallas_call(
    _fin_wrap,
    grid=(_NB,),
    in_specs=[
        pl.BlockSpec((_NQ, _BN, _DQ), lambda i: (0, i, 0)),
        pl.BlockSpec((_NQ, _BN, _DQ), lambda i: (0, i, 0)),
        pl.BlockSpec((_NC, _BN, 16), lambda i: (0, i, 0)),
        _const_spec((_NQ, _DQ)),
    ]
    + [_const_spec((_DQ, _D2))] * 8
    + [_const_spec((_DQ, _DIN))] * 8
    + [
        _const_spec((1, _D2)), _const_spec((1, _D2)),
        _const_spec((1, _DIN)), _const_spec((1, _DIN)),
    ],
    out_specs=[
        _const_spec((1, _D2)), _const_spec((1, _D2)),
        _const_spec((1, _DIN)), _const_spec((1, _DIN)),
    ],
    out_shape=[
        jax.ShapeDtypeStruct((1, _D2), jnp.float32),
        jax.ShapeDtypeStruct((1, _D2), jnp.float32),
        jax.ShapeDtypeStruct((1, _DIN), jnp.float32),
        jax.ShapeDtypeStruct((1, _DIN), jnp.float32),
    ],
    scratch_shapes=[pltpu.VMEM((_NQ, _DQ), jnp.float32)],
)


def kernel(x, edge_index, conv1_weight, conv1_bias,
           fc1_weight, fc1_bias, fc2_weight, fc2_bias,
           fc3_weight, fc3_bias, fc4_weight, fc4_bias):
    src = edge_index[0]
    dst = edge_index[1]
    src_a = src.reshape(_NW, _CA, _KA)
    src_c = src.reshape(_NS, _CC, _KC)
    dst_c = dst.reshape(_NS, _CC, _KC)
    zeros_c = jnp.zeros((_NP, _DQ), jnp.float32)

    deg2 = _deg_call(src_a)
    g4 = _mm_call(x, conv1_weight, deg2)
    acc4 = _msg_call(g4, src_c, dst_c, zeros_c)

    b4 = conv1_bias.reshape(_NQ, _DQ)
    legs = []
    for w in (fc1_weight, fc2_weight, fc3_weight, fc4_weight):
        for q in range(_NQ):
            legs.append(w[:, q * _DQ:(q + 1) * _DQ].T)
    bb1 = fc1_bias.reshape(1, _D2)
    bb2 = fc2_bias.reshape(1, _D2)
    bb3 = fc3_bias.reshape(1, _DIN)
    bb4 = fc4_bias.reshape(1, _DIN)

    o1, o2, o3, o4 = _fin_call(acc4, g4, deg2, b4, *legs,
                               bb1, bb2, bb3, bb4)
    return (o1.reshape(_D2), o2.reshape(_D2),
            o3.reshape(_DIN), o4.reshape(_DIN))

# --- scband reference (transcript-rebuilt; emitter-appended) ---
"""Pipeline reference for scband-graph-signature-20212116095300 (READ-ONLY COPY).

The authoritative reference and input builder live on the scoring server;
editing this copy changes nothing except your own understanding.
"""

import jax, jax.numpy as jnp
import numpy as np

N = 10000
E = 320000
D_IN = 128
D_OUT = 128


def setup_inputs(seed: int = 0) -> dict:
    key = jax.random.key(seed)
    ks = jax.random.split(key, 12)
    x = jax.random.normal(ks[0], (N, D_IN), dtype=jnp.float32)
    edge_index = jax.random.randint(ks[1], (2, E), 0, N, dtype=jnp.int32)
    conv1_weight = jax.random.normal(ks[2], (D_IN, 2 * D_OUT), dtype=jnp.float32) / np.sqrt(D_IN)
    conv1_bias = jax.random.normal(ks[3], (2 * D_OUT,), dtype=jnp.float32) * 0.01
    fc1_weight = jax.random.normal(ks[4], (2 * D_OUT, 2 * D_OUT), dtype=jnp.float32) / np.sqrt(2 * D_OUT)
    fc1_bias = jax.random.normal(ks[5], (2 * D_OUT,), dtype=jnp.float32) * 0.01
    fc2_weight = jax.random.normal(ks[6], (2 * D_OUT, 2 * D_OUT), dtype=jnp.float32) / np.sqrt(2 * D_OUT)
    fc2_bias = jax.random.normal(ks[7], (2 * D_OUT,), dtype=jnp.float32) * 0.01
    fc3_weight = jax.random.normal(ks[8], (D_OUT, 2 * D_OUT), dtype=jnp.float32) / np.sqrt(2 * D_OUT)
    fc3_bias = jax.random.normal(ks[9], (D_OUT,), dtype=jnp.float32) * 0.01
    fc4_weight = jax.random.normal(ks[10], (D_OUT, 2 * D_OUT), dtype=jnp.float32) / np.sqrt(2 * D_OUT)
    fc4_bias = jax.random.normal(ks[11], (D_OUT,), dtype=jnp.float32) * 0.01
    return {
        "x": x, "edge_index": edge_index,
        "conv1_weight": conv1_weight, "conv1_bias": conv1_bias,
        "fc1_weight": fc1_weight, "fc1_bias": fc1_bias,
        "fc2_weight": fc2_weight, "fc2_bias": fc2_bias,
        "fc3_weight": fc3_weight, "fc3_bias": fc3_bias,
        "fc4_weight": fc4_weight, "fc4_bias": fc4_bias,
    }


def _gcn_conv(x, edge_index, weight, bias):
    # MetaGCNConv: symmetric-normalized GCN with self-loops and explicit weight/bias
    n = x.shape[0]
    h = x @ weight  # [N, 2*out]
    loop = jnp.arange(n, dtype=edge_index.dtype)
    src = jnp.concatenate([edge_index[0], loop])
    dst = jnp.concatenate([edge_index[1], loop])
    deg = jnp.zeros((n,), dtype=h.dtype).at[src].add(1.0)
    deg_inv_sqrt = jnp.where(deg > 0, jax.lax.rsqrt(jnp.maximum(deg, 1e-12)), 0.0)
    norm = deg_inv_sqrt[src] * deg_inv_sqrt[dst]
    msgs = norm[:, None] * jnp.take(h, src, axis=0)
    out = jnp.zeros((n, h.shape[1]), dtype=h.dtype).at[dst].add(msgs)
    return out + bias


def reference(x, edge_index, conv1_weight, conv1_bias,
              fc1_weight, fc1_bias, fc2_weight, fc2_bias,
              fc3_weight, fc3_bias, fc4_weight, fc4_bias):
    h = jax.nn.relu(_gcn_conv(x, edge_index, conv1_weight, conv1_bias))
    s = h.sum(0)  # [2*out]
    x_gamma_1 = s @ fc1_weight.T + fc1_bias
    x_beta_1 = s @ fc2_weight.T + fc2_bias
    x_gamma_2 = s @ fc3_weight.T + fc3_bias
    x_beta_2 = s @ fc4_weight.T + fc4_bias
    return (jnp.tanh(x_gamma_1), jnp.tanh(x_beta_1), jnp.tanh(x_gamma_2), jnp.tanh(x_beta_2))

if __name__ == "__main__":
    import jax
    _d = setup_inputs()
    print(jax.jit(kernel)(*tuple(_d.values())))

</pallas_src>

<mosaic_0001>
#map = affine_map<(d0, d1) -> (0, 0, 0)>
module attributes {stable_mosaic.version = 14 : i64} {
  func.func @_deg_body(%arg0: i32, %arg1: i32, %arg2: memref<32x125x80xi32, #tpu.memory_space<hbm>>, %arg3: memref<2x10240x16xf32, #tpu.memory_space<hbm>>, %arg4: memref<125x80xi32, #tpu.memory_space<vmem>>, %arg5: memref<80x16xf32, #tpu.memory_space<vmem>>, %arg6: memref<640x16xf32, #tpu.memory_space<vmem>>, %arg7: memref<10240x16xf32, #tpu.memory_space<vmem_shared>>) attributes {dimension_semantics = [#tpu.dimension_semantics<core_parallel>, #tpu.dimension_semantics<subcore_parallel>], iteration_bounds = array<i64: 2, 16>, scalar_prefetch = 0 : i64, scratch_operands = 4 : i64, tpu.core_type = #tpu.core_type<sc_vector_subcore>, window_params = [{transform_indices = #map}, {transform_indices = #map}]} {
    %mul3A = arith.constant 16 : i32
    %mul3A_0 = arith.muli %arg0, %mul3A : i32
    %add3A = arith.addi %mul3A_0, %arg1 : i32
    %broadcast_in_dim3A = arith.constant 1.000000e+00 : f32
    %broadcast_in_dim3A_1 = vector.broadcast %broadcast_in_dim3A : f32 to vector<16xf32>
    %broadcast_in_dim3A_2 = arith.constant 0.000000e+00 : f32
    %broadcast_in_dim3A_3 = vector.broadcast %broadcast_in_dim3A_2 : f32 to vector<16xf32>
    %scan3A = arith.constant 0 : i32
    %scan3A_4 = arith.constant 80 : i32
    %scan3A_5 = arith.addi %scan3A, %scan3A_4 : i32
    %scan3A_6 = arith.constant 1 : i32
    scf.for %scan3A_25 = %scan3A to %scan3A_5 step %scan3A_6  : i32 {
      %swap3A = arith.index_cast %scan3A_25 : i32 to index
      %swap3A_26 = arith.constant 0 : index
      %swap3A_27 = tpu.vector_load %arg5[%swap3A, %swap3A_26] {strides = array<i32>} : memref<80x16xf32, #tpu.memory_space<vmem>>, vector<1x16xf32>,
      %swap3A_28 = vector.shape_cast %swap3A_27 : vector<1x16xf32> to vector<16xf32>
      %swap3A_29 = vector.shape_cast %broadcast_in_dim3A_1 : vector<16xf32> to vector<1x16xf32>
      tpu.vector_store %arg5[%swap3A, %swap3A_26], %swap3A_29 {strides = array<i32>} : memref<80x16xf32, #tpu.memory_space<vmem>>, vector<1x16xf32>,
    }
    %scan3A_7 = arith.constant 80 : i32
    %scan3A_8 = arith.constant 0 : i32
    %scan3A_9 = arith.constant 640 : i32
    %scan3A_10 = arith.addi %scan3A_8, %scan3A_9 : i32
    %scan3A_11 = arith.constant 1 : i32
    scf.for %scan3A_25 = %scan3A_8 to %scan3A_10 step %scan3A_11  : i32 {
      %swap3A = arith.index_cast %scan3A_25 : i32 to index
      %swap3A_26 = arith.constant 0 : index
      %swap3A_27 = tpu.vector_load %arg6[%swap3A, %swap3A_26] {strides = array<i32>} : memref<640x16xf32, #tpu.memory_space<vmem>>, vector<1x16xf32>,
      %swap3A_28 = vector.shape_cast %swap3A_27 : vector<1x16xf32> to vector<16xf32>
      %swap3A_29 = vector.shape_cast %broadcast_in_dim3A_3 : vector<16xf32> to vector<1x16xf32>
      tpu.vector_store %arg6[%swap3A, %swap3A_26], %swap3A_29 {strides = array<i32>} : memref<640x16xf32, #tpu.memory_space<vmem>>, vector<1x16xf32>,
    }
    %scan3A_12 = arith.constant 640 : i32
    %mul3A_13 = arith.constant 640 : i32
    %mul3A_14 = arith.muli %arg1, %mul3A_13 : i32
    "tpu.region"() ({
      %run_scoped3A = tpu.sem_alloc : memref<!tpu.dma_semaphore, #tpu.memory_space<semaphore_mem>>
      %dma_start3A = arith.constant 0 : i32
      %dma_start3A_25 = tpu.memref_slice %arg7[%mul3A_14, %dma_start3A] : memref<10240x16xf32, #tpu.memory_space<vmem_shared>> -> memref<640x16xf32, #tpu.memory_space<vmem_shared>>
      %dma_start3A_26 = arith.constant 0 : i32
      %dma_start3A_27 = tpu.memref_slice %arg7[%mul3A_14, %dma_start3A_26] : memref<10240x16xf32, #tpu.memory_space<vmem_shared>> -> memref<640x16xf32, #tpu.memory_space<vmem_shared>>
      tpu.enqueue_dma source(%arg6 : memref<640x16xf32, #tpu.memory_space<vmem>>) target(%dma_start3A_27 : memref<640x16xf32, #tpu.memory_space<vmem_shared>>) target_semaphore(%run_scoped3A : memref<!tpu.dma_semaphore, #tpu.memory_space<semaphore_mem>>)
      %dma_wait3A = arith.constant 0 : i32
      %dma_wait3A_28 = tpu.memref_slice %arg7[%mul3A_14, %dma_wait3A] : memref<10240x16xf32, #tpu.memory_space<vmem_shared>> -> memref<640x16xf32, #tpu.memory_space<vmem_shared>>
      %dma_wait3A_29 = arith.constant 0 : i32
      %dma_wait3A_30 = tpu.memref_slice %arg7[%mul3A_14, %dma_wait3A_29] : memref<10240x16xf32, #tpu.memory_space<vmem_shared>> -> memref<640x16xf32, #tpu.memory_space<vmem_shared>>
      tpu.wait_dma2 semaphore(%run_scoped3A : memref<!tpu.dma_semaphore, #tpu.memory_space<semaphore_mem>>) src(%arg6 : memref<640x16xf32, #tpu.memory_space<vmem>>) dst(%dma_wait3A_30 : memref<640x16xf32, #tpu.memory_space<vmem_shared>>)
      tpu.yield
    }) : () -> ()
    "tpu.region"() ({
      %run_scoped3A = tpu.sem_alloc : memref<!tpu.dma_semaphore, #tpu.memory_space<semaphore_mem>>
      %dma_start3A = arith.constant 0 : i32
      %dma_start3A_25 = arith.constant 0 : i32
      %dma_start3A_26 = tpu.memref_slice %arg2[%add3A, %dma_start3A, %dma_start3A_25] : memref<32x125x80xi32, #tpu.memory_space<hbm>> -> memref<1x125x80xi32, #tpu.memory_space<hbm>>
      %dma_start3A_27 = tpu.memref_squeeze %dma_start3A_26 : memref<1x125x80xi32, #tpu.memory_space<hbm>> -> memref<125x80xi32, #tpu.memory_space<hbm>>
      %dma_start3A_28 = arith.constant 0 : i32
      %dma_start3A_29 = arith.constant 0 : i32
      %dma_start3A_30 = tpu.memref_slice %arg2[%add3A, %dma_start3A_28, %dma_start3A_29] : memref<32x125x80xi32, #tpu.memory_space<hbm>> -> memref<1x125x80xi32, #tpu.memory_space<hbm>>
      %dma_start3A_31 = tpu.memref_squeeze %dma_start3A_30 : memref<1x125x80xi32, #tpu.memory_space<hbm>> -> memref<125x80xi32, #tpu.memory_space<hbm>>
      tpu.enqueue_dma source(%dma_start3A_31 : memref<125x80xi32, #tpu.memory_space<hbm>>) target(%arg4 : memref<125x80xi32, #tpu.memory_space<vmem>>) target_semaphore(%run_scoped3A : memref<!tpu.dma_semaphore, #tpu.memory_space<semaphore_mem>>)
      %dma_wait3A = arith.constant 0 : i32
      %dma_wait3A_32 = arith.constant 0 : i32
      %dma_wait3A_33 = tpu.memref_slice %arg2[%add3A, %dma_wait3A, %dma_wait3A_32] : memref<32x125x80xi32, #tpu.memory_space<hbm>> -> memref<1x125x80xi32, #tpu.memory_space<hbm>>
      %dma_wait3A_34 = tpu.memref_squeeze %dma_wait3A_33 : memref<1x125x80xi32, #tpu.memory_space<hbm>> -> memref<125x80xi32, #tpu.memory_space<hbm>>
      %dma_wait3A_35 = arith.constant 0 : i32
      %dma_wait3A_36 = arith.constant 0 : i32
      %dma_wait3A_37 = tpu.memref_slice %arg2[%add3A, %dma_wait3A_35, %dma_wait3A_36] : memref<32x125x80xi32, #tpu.memory_space<hbm>> -> memref<1x125x80xi32, #tpu.memory_space<hbm>>
      %dma_wait3A_38 = tpu.memref_squeeze %dma_wait3A_37 : memref<1x125x80xi32, #tpu.memory_space<hbm>> -> memref<125x80xi32, #tpu.memory_space<hbm>>
      tpu.wait_dma2 semaphore(%run_scoped3A : memref<!tpu.dma_semaphore, #tpu.memory_space<semaphore_mem>>) src(%dma_wait3A_38 : memref<125x80xi32, #tpu.memory_space<hbm>>) dst(%arg4 : memref<125x80xi32, #tpu.memory_space<vmem>>)
      tpu.yield
    }) : () -> ()
    %barrier3A = arith.constant 0 : index
    tpu.barrier barrier_id(%barrier3A)
    %scan3A_15 = arith.constant 0 : i32
    %scan3A_16 = arith.constant 125 : i32
    %scan3A_17 = arith.addi %scan3A_15, %scan3A_16 : i32
    %scan3A_18 = arith.constant 1 : i32
    scf.for %scan3A_25 = %scan3A_15 to %scan3A_17 step %scan3A_18  : i32 {
      "tpu.region"() ({
        %run_scoped3A = tpu.sem_alloc : memref<!tpu.dma_semaphore, #tpu.memory_space<semaphore_mem>>
        %dma_start3A = arith.constant 0 : i32
        %dma_start3A_26 = tpu.memref_slice %arg4[%scan3A_25, %dma_start3A] : memref<125x80xi32, #tpu.memory_space<vmem>> -> memref<1x80xi32, #tpu.memory_space<vmem>>
        %dma_start3A_27 = tpu.memref_squeeze %dma_start3A_26 : memref<1x80xi32, #tpu.memory_space<vmem>> -> memref<80xi32, #tpu.memory_space<vmem>>
        %dma_start3A_28 = arith.constant 0 : i32
        %dma_start3A_29 = arith.constant 0 : i32
        %dma_start3A_30 = tpu.memref_slice %arg7[%dma_start3A_28, %dma_start3A_29] : memref<10240x16xf32, #tpu.memory_space<vmem_shared>> -> memref<10240x16xf32, #tpu.memory_space<vmem_shared>>
        tpu.enqueue_indirect_dma source(%arg5 : memref<80x16xf32, #tpu.memory_space<vmem>>) target(%dma_start3A_30 : memref<10240x16xf32, #tpu.memory_space<vmem_shared>>) offsets(%dma_start3A_27 : memref<80xi32, #tpu.memory_space<vmem>>) semaphore(%run_scoped3A : memref<!tpu.dma_semaphore, #tpu.memory_space<semaphore_mem>>) {add = true}
        %dma_wait3A = arith.constant 0 : i32
        %dma_wait3A_31 = tpu.memref_slice %arg4[%scan3A_25, %dma_wait3A] : memref<125x80xi32, #tpu.memory_space<vmem>> -> memref<1x80xi32, #tpu.memory_space<vmem>>
        %dma_wait3A_32 = tpu.memref_squeeze %dma_wait3A_31 : memref<1x80xi32, #tpu.memory_space<vmem>> -> memref<80xi32, #tpu.memory_space<vmem>>
        %dma_wait3A_33 = arith.constant 0 : i32
        %dma_wait3A_34 = arith.constant 0 : i32
        %dma_wait3A_35 = tpu.memref_slice %arg7[%dma_wait3A_33, %dma_wait3A_34] : memref<10240x16xf32, #tpu.memory_space<vmem_shared>> -> memref<10240x16xf32, #tpu.memory_space<vmem_shared>>
        tpu.wait_indirect_dma semaphore(%run_scoped3A : memref<!tpu.dma_semaphore, #tpu.memory_space<semaphore_mem>>) src(%arg5 : memref<80x16xf32, #tpu.memory_space<vmem>>) dst(%dma_wait3A_35 : memref<10240x16xf32, #tpu.memory_space<vmem_shared>>)
        tpu.yield
      }) : () -> ()
    }
    %scan3A_19 = arith.constant 125 : i32
    %barrier3A_20 = arith.constant 0 : index
    tpu.barrier barrier_id(%barrier3A_20)
    %mul3A_21 = arith.constant 640 : i32
    %mul3A_22 = arith.muli %arg1, %mul3A_21 : i32
    %mul3A_23 = arith.constant 640 : i32
    %mul3A_24 = arith.muli %arg1, %mul3A_23 : i32
    "tpu.region"() ({
      %run_scoped3A = tpu.sem_alloc : memref<!tpu.dma_semaphore, #tpu.memory_space<semaphore_mem>>
      %dma_start3A = arith.constant 0 : i32
      %dma_start3A_25 = tpu.memref_slice %arg3[%arg0, %mul3A_24, %dma_start3A] : memref<2x10240x16xf32, #tpu.memory_space<hbm>> -> memref<1x640x16xf32, #tpu.memory_space<hbm>>
      %dma_start3A_26 = tpu.memref_squeeze %dma_start3A_25 : memref<1x640x16xf32, #tpu.memory_space<hbm>> -> memref<640x16xf32, #tpu.memory_space<hbm>>
      %dma_start3A_27 = arith.constant 0 : i32
      %dma_start3A_28 = tpu.memref_slice %arg7[%mul3A_22, %dma_start3A_27] : memref<10240x16xf32, #tpu.memory_space<vmem_shared>> -> memref<640x16xf32, #tpu.memory_space<vmem_shared>>
      tpu.enqueue_dma source(%dma_start3A_28 : memref<640x16xf32, #tpu.memory_space<vmem_shared>>) target(%dma_start3A_26 : memref<640x16xf32, #tpu.memory_space<hbm>>) target_semaphore(%run_scoped3A : memref<!tpu.dma_semaphore, #tpu.memory_space<semaphore_mem>>)
      %dma_wait3A = arith.constant 0 : i32
      %dma_wait3A_29 = tpu.memref_slice %arg3[%arg0, %mul3A_24, %dma_wait3A] : memref<2x10240x16xf32, #tpu.memory_space<hbm>> -> memref<1x640x16xf32, #tpu.memory_space<hbm>>
      %dma_wait3A_30 = tpu.memref_squeeze %dma_wait3A_29 : memref<1x640x16xf32, #tpu.memory_space<hbm>> -> memref<640x16xf32, #tpu.memory_space<hbm>>
      %dma_wait3A_31 = arith.constant 0 : i32
      %dma_wait3A_32 = tpu.memref_slice %arg7[%mul3A_22, %dma_wait3A_31] : memref<10240x16xf32, #tpu.memory_space<vmem_shared>> -> memref<640x16xf32, #tpu.memory_space<vmem_shared>>
      tpu.wait_dma2 semaphore(%run_scoped3A : memref<!tpu.dma_semaphore, #tpu.memory_space<semaphore_mem>>) src(%dma_wait3A_32 : memref<640x16xf32, #tpu.memory_space<vmem_shared>>) dst(%dma_wait3A_30 : memref<640x16xf32, #tpu.memory_space<hbm>>)
      tpu.yield
    }) : () -> ()
    return
  }
}

#map = affine_map<(d0, d1) -> (0, 0, 0)>
#map1 = affine_map<(d0, d1) -> (0, 0)>
module attributes {stable_mosaic.version = 14 : i64} {
  func.func @_msg_body(%arg0: i32, %arg1: i32, %arg2: memref<4x10240x64xf32, #tpu.memory_space<hbm>>, %arg3: memref<16x160x125xi32, #tpu.memory_space<hbm>>, %arg4: memref<16x160x125xi32, #tpu.memory_space<hbm>>, %arg5: memref<10240x64xf32, #tpu.memory_space<hbm>>, %arg6: memref<4x10240x64xf32, #tpu.memory_space<hbm>>, %arg7: memref<160x125xi32, #tpu.memory_space<vmem>>, %arg8: memref<160x125xi32, #tpu.memory_space<vmem>>, %arg9: memref<125x64xf32, #tpu.memory_space<vmem>>, %arg10: memref<125x64xf32, #tpu.memory_space<vmem>>, %arg11: memref<125x64xf32, #tpu.memory_space<vmem>>, %arg12: memref<125x64xf32, #tpu.memory_space<vmem>>, %arg13: memref<10240x64xf32, #tpu.memory_space<vmem_shared>>, %arg14: memref<!tpu.dma_semaphore, #tpu.memory_space<semaphore_mem>>, %arg15: memref<!tpu.dma_semaphore, #tpu.memory_space<semaphore_mem>>, %arg16: memref<!tpu.dma_semaphore, #tpu.memory_space<semaphore_mem>>, %arg17: memref<!tpu.dma_semaphore, #tpu.memory_space<semaphore_mem>>, %arg18: memref<!tpu.dma_semaphore, #tpu.memory_space<semaphore_mem>>, %arg19: memref<!tpu.dma_semaphore, #tpu.memory_space<semaphore_mem>>, %arg20: memref<!tpu.dma_semaphore, #tpu.memory_space<semaphore_mem>>, %arg21: memref<!tpu.dma_semaphore, #tpu.memory_space<semaphore_mem>>) attributes {dimension_semantics = [#tpu.dimension_semantics<core_parallel>, #tpu.dimension_semantics<subcore_parallel>], iteration_bounds = array<i64: 2, 16>, scalar_prefetch = 0 : i64, scratch_operands = 15 : i64, tpu.core_type = #tpu.core_type<sc_vector_subcore>, window_params = [{transform_indices = #map}, {transform_indices = #map}, {transform_indices = #map}, {transform_indices = #map1}, {transform_indices = #map}]} {
    "tpu.region"() ({
      %run_scoped3A = tpu.sem_alloc : memref<!tpu.dma_semaphore, #tpu.memory_space<semaphore_mem>>
      %dma_start3A_156 = arith.constant 0 : i32
      %dma_start3A_157 = arith.constant 0 : i32
      %dma_start3A_158 = tpu.memref_slice %arg3[%arg1, %dma_start3A_156, %dma_start3A_157] : memref<16x160x125xi32, #tpu.memory_space<hbm>> -> memref<1x160x125xi32, #tpu.memory_space<hbm>>
      %dma_start3A_159 = tpu.memref_squeeze %dma_start3A_158 : memref<1x160x125xi32, #tpu.memory_space<hbm>> -> memref<160x125xi32, #tpu.memory_space<hbm>>
      %dma_start3A_160 = arith.constant 0 : i32
      %dma_start3A_161 = arith.constant 0 : i32
      %dma_start3A_162 = tpu.memref_slice %arg3[%arg1, %dma_start3A_160, %dma_start3A_161] : memref<16x160x125xi32, #tpu.memory_space<hbm>> -> memref<1x160x125xi32, #tpu.memory_space<hbm>>
      %dma_start3A_163 = tpu.memref_squeeze %dma_start3A_162 : memref<1x160x125xi32, #tpu.memory_space<hbm>> -> memref<160x125xi32, #tpu.memory_space<hbm>>
      tpu.enqueue_dma source(%dma_start3A_163 : memref<160x125xi32, #tpu.memory_space<hbm>>) target(%arg7 : memref<160x125xi32, #tpu.memory_space<vmem>>) target_semaphore(%run_scoped3A : memref<!tpu.dma_semaphore, #tpu.memory_space<semaphore_mem>>)
      %dma_wait3A_164 = arith.constant 0 : i32
      %dma_wait3A_165 = arith.constant 0 : i32
      %dma_wait3A_166 = tpu.memref_slice %arg3[%arg1, %dma_wait3A_164, %dma_wait3A_165] : memref<16x160x125xi32, #tpu.memory_space<hbm>> -> memref<1x160x125xi32, #tpu.memory_space<hbm>>
      %dma_wait3A_167 = tpu.memref_squeeze %dma_wait3A_166 : memref<1x160x125xi32, #tpu.memory_space<hbm>> -> memref<160x125xi32, #tpu.memory_space<hbm>>
      %dma_wait3A_168 = arith.constant 0 : i32
      %dma_wait3A_169 = arith.constant 0 : i32
      %dma_wait3A_170 = tpu.memref_slice %arg3[%arg1, %dma_wait3A_168, %dma_wait3A_169] : memref<16x160x125xi32, #tpu.memory_space<hbm>> -> memref<1x160x125xi32, #tpu.memory_space<hbm>>
      %dma_wait3A_171 = tpu.memref_squeeze %dma_wait3A_170 : memref<1x160x125xi32, #tpu.memory_space<hbm>> -> memref<160x125xi32, #tpu.memory_space<hbm>>
      tpu.wait_dma2 semaphore(%run_scoped3A : memref<!tpu.dma_semaphore, #tpu.memory_space<semaphore_mem>>) src(%dma_wait3A_171 : memref<160x125xi32, #tpu.memory_space<hbm>>) dst(%arg7 : memref<160x125xi32, #tpu.memory_space<vmem>>)
      tpu.yield
    }) : () -> ()
    "tpu.region"() ({
      %run_scoped3A = tpu.sem_alloc : memref<!tpu.dma_semaphore, #tpu.memory_space<semaphore_mem>>
      %dma_start3A_156 = arith.constant 0 : i32
      %dma_start3A_157 = arith.constant 0 : i32
      %dma_start3A_158 = tpu.memref_slice %arg4[%arg1, %dma_start3A_156, %dma_start3A_157] : memref<16x160x125xi32, #tpu.memory_space<hbm>> -> memref<1x160x125xi32, #tpu.memory_space<hbm>>
      %dma_start3A_159 = tpu.memref_squeeze %dma_start3A_158 : memref<1x160x125xi32, #tpu.memory_space<hbm>> -> memref<160x125xi32, #tpu.memory_space<hbm>>
      %dma_start3A_160 = arith.constant 0 : i32
      %dma_start3A_161 = arith.constant 0 : i32
      %dma_start3A_162 = tpu.memref_slice %arg4[%arg1, %dma_start3A_160, %dma_start3A_161] : memref<16x160x125xi32, #tpu.memory_space<hbm>> -> memref<1x160x125xi32, #tpu.memory_space<hbm>>
      %dma_start3A_163 = tpu.memref_squeeze %dma_start3A_162 : memref<1x160x125xi32, #tpu.memory_space<hbm>> -> memref<160x125xi32, #tpu.memory_space<hbm>>
      tpu.enqueue_dma source(%dma_start3A_163 : memref<160x125xi32, #tpu.memory_space<hbm>>) target(%arg8 : memref<160x125xi32, #tpu.memory_space<vmem>>) target_semaphore(%run_scoped3A : memref<!tpu.dma_semaphore, #tpu.memory_space<semaphore_mem>>)
      %dma_wait3A_164 = arith.constant 0 : i32
      %dma_wait3A_165 = arith.constant 0 : i32
      %dma_wait3A_166 = tpu.memref_slice %arg4[%arg1, %dma_wait3A_164, %dma_wait3A_165] : memref<16x160x125xi32, #tpu.memory_space<hbm>> -> memref<1x160x125xi32, #tpu.memory_space<hbm>>
      %dma_wait3A_167 = tpu.memref_squeeze %dma_wait3A_166 : memref<1x160x125xi32, #tpu.memory_space<hbm>> -> memref<160x125xi32, #tpu.memory_space<hbm>>
      %dma_wait3A_168 = arith.constant 0 : i32
      %dma_wait3A_169 = arith.constant 0 : i32
      %dma_wait3A_170 = tpu.memref_slice %arg4[%arg1, %dma_wait3A_168, %dma_wait3A_169] : memref<16x160x125xi32, #tpu.memory_space<hbm>> -> memref<1x160x125xi32, #tpu.memory_space<hbm>>
      %dma_wait3A_171 = tpu.memref_squeeze %dma_wait3A_170 : memref<1x160x125xi32, #tpu.memory_space<hbm>> -> memref<160x125xi32, #tpu.memory_space<hbm>>
      tpu.wait_dma2 semaphore(%run_scoped3A : memref<!tpu.dma_semaphore, #tpu.memory_space<semaphore_mem>>) src(%dma_wait3A_171 : memref<160x125xi32, #tpu.memory_space<hbm>>) dst(%arg8 : memref<160x125xi32, #tpu.memory_space<vmem>>)
      tpu.yield
    }) : () -> ()
    %mul3A = arith.constant 2 : i32
    %mul3A_0 = arith.muli %arg0, %mul3A : i32
    %add3A = arith.constant 0 : i32
    %add3A_1 = arith.addi %mul3A_0, %add3A : i32
    %mul3A_2 = arith.constant 640 : i32
    %mul3A_3 = arith.muli %arg1, %mul3A_2 : i32
    %mul3A_4 = arith.constant 640 : i32
    %mul3A_5 = arith.muli %arg1, %mul3A_4 : i32
    "tpu.region"() ({
      %run_scoped3A = tpu.sem_alloc : memref<!tpu.dma_semaphore, #tpu.memory_space<semaphore_mem>>
      %dma_start3A_156 = arith.constant 0 : i32
      %dma_start3A_157 = tpu.memref_slice %arg13[%mul3A_5, %dma_start3A_156] : memref<10240x64xf32, #tpu.memory_space<vmem_shared>> -> memref<640x64xf32, #tpu.memory_space<vmem_shared>>
      %dma_start3A_158 = arith.constant 0 : i32
      %dma_start3A_159 = tpu.memref_slice %arg5[%mul3A_3, %dma_start3A_158] : memref<10240x64xf32, #tpu.memory_space<hbm>> -> memref<640x64xf32, #tpu.memory_space<hbm>>
      tpu.enqueue_dma source(%dma_start3A_159 : memref<640x64xf32, #tpu.memory_space<hbm>>) target(%dma_start3A_157 : memref<640x64xf32, #tpu.memory_space<vmem_shared>>) target_semaphore(%run_scoped3A : memref<!tpu.dma_semaphore, #tpu.memory_space<semaphore_mem>>)
      %dma_wait3A_160 = arith.constant 0 : i32
      %dma_wait3A_161 = tpu.memref_slice %arg13[%mul3A_5, %dma_wait3A_160] : memref<10240x64xf32, #tpu.memory_space<vmem_shared>> -> memref<640x64xf32, #tpu.memory_space<vmem_shared>>
      %dma_wait3A_162 = arith.constant 0 : i32
      %dma_wait3A_163 = tpu.memref_slice %arg5[%mul3A_3, %dma_wait3A_162] : memref<10240x64xf32, #tpu.memory_space<hbm>> -> memref<640x64xf32, #tpu.memory_space<hbm>>
      tpu.wait_dma2 semaphore(%run_scoped3A : memref<!tpu.dma_semaphore, #tpu.memory_space<semaphore_mem>>) src(%dma_wait3A_163 : memref<640x64xf32, #tpu.memory_space<hbm>>) dst(%dma_wait3A_161 : memref<640x64xf32, #tpu.memory_space<vmem_shared>>)
      tpu.yield
    }) : () -> ()
    %barrier3A = arith.constant 0 : index
    tpu.barrier barrier_id(%barrier3A)
    %dma_start3A = arith.constant 0 : i32
    %dma_start3A_6 = arith.constant 0 : i32
    %dma_start3A_7 = tpu.memref_slice %arg7[%dma_start3A, %dma_start3A_6] : memref<160x125xi32, #tpu.memory_space<vmem>> -> memref<1x125xi32, #tpu.memory_space<vmem>>
    %dma_start3A_8 = tpu.memref_squeeze %dma_start3A_7 : memref<1x125xi32, #tpu.memory_space<vmem>> -> memref<125xi32, #tpu.memory_space<vmem>>
    %dma_start3A_9 = arith.constant 0 : i32
    %dma_start3A_10 = arith.constant 0 : i32
    %dma_start3A_11 = tpu.memref_slice %arg2[%add3A_1, %dma_start3A_9, %dma_start3A_10] : memref<4x10240x64xf32, #tpu.memory_space<hbm>> -> memref<1x10240x64xf32, #tpu.memory_space<hbm>>
    %dma_start3A_12 = tpu.memref_squeeze %dma_start3A_11 : memref<1x10240x64xf32, #tpu.memory_space<hbm>> -> memref<10240x64xf32, #tpu.memory_space<hbm>>
    %dma_start3A_13 = arith.constant 0 : i32
    %dma_start3A_14 = arith.constant 0 : i32
    %dma_start3A_15 = tpu.memref_slice %dma_start3A_12[%dma_start3A_13, %dma_start3A_14] : memref<10240x64xf32, #tpu.memory_space<hbm>> -> memref<10240x64xf32, #tpu.memory_space<hbm>>
    tpu.enqueue_indirect_dma source(%dma_start3A_15 : memref<10240x64xf32, #tpu.memory_space<hbm>>) target(%arg9 : memref<125x64xf32, #tpu.memory_space<vmem>>) offsets(%dma_start3A_8 : memref<125xi32, #tpu.memory_space<vmem>>) semaphore(%arg14 : memref<!tpu.dma_semaphore, #tpu.memory_space<semaphore_mem>>)
    %dma_start3A_16 = arith.constant 1 : i32
    %dma_start3A_17 = arith.constant 0 : i32
    %dma_start3A_18 = tpu.memref_slice %arg7[%dma_start3A_16, %dma_start3A_17] : memref<160x125xi32, #tpu.memory_space<vmem>> -> memref<1x125xi32, #tpu.memory_space<vmem>>
    %dma_start3A_19 = tpu.memref_squeeze %dma_start3A_18 : memref<1x125xi32, #tpu.memory_space<vmem>> -> memref<125xi32, #tpu.memory_space<vmem>>
    %dma_start3A_20 = arith.constant 0 : i32
    %dma_start3A_21 = arith.constant 0 : i32
    %dma_start3A_22 = tpu.memref_slice %arg2[%add3A_1, %dma_start3A_20, %dma_start3A_21] : memref<4x10240x64xf32, #tpu.memory_space<hbm>> -> memref<1x10240x64xf32, #tpu.memory_space<hbm>>
    %dma_start3A_23 = tpu.memref_squeeze %dma_start3A_22 : memref<1x10240x64xf32, #tpu.memory_space<hbm>> -> memref<10240x64xf32, #tpu.memory_space<hbm>>
    %dma_start3A_24 = arith.constant 0 : i32
    %dma_start3A_25 = arith.constant 0 : i32
    %dma_start3A_26 = tpu.memref_slice %dma_start3A_23[%dma_start3A_24, %dma_start3A_25] : memref<10240x64xf32, #tpu.memory_space<hbm>> -> memref<10240x64xf32, #tpu.memory_space<hbm>>
    tpu.enqueue_indirect_dma source(%dma_start3A_26 : memref<10240x64xf32, #tpu.memory_space<hbm>>) target(%arg10 : memref<125x64xf32, #tpu.memory_space<vmem>>) offsets(%dma_start3A_19 : memref<125xi32, #tpu.memory_space<vmem>>) semaphore(%arg15 : memref<!tpu.dma_semaphore, #tpu.memory_space<semaphore_mem>>)
    %dma_start3A_27 = arith.constant 2 : i32
    %dma_start3A_28 = arith.constant 0 : i32
    %dma_start3A_29 = tpu.memref_slice %arg7[%dma_start3A_27, %dma_start3A_28] : memref<160x125xi32, #tpu.memory_space<vmem>> -> memref<1x125xi32, #tpu.memory_space<vmem>>
    %dma_start3A_30 = tpu.memref_squeeze %dma_start3A_29 : memref<1x125xi32, #tpu.memory_space<vmem>> -> memref<125xi32, #tpu.memory_space<vmem>>
    %dma_start3A_31 = arith.constant 0 : i32
    %dma_start3A_32 = arith.constant 0 : i32
    %dma_start3A_33 = tpu.memref_slice %arg2[%add3A_1, %dma_start3A_31, %dma_start3A_32] : memref<4x10240x64xf32, #tpu.memory_space<hbm>> -> memref<1x10240x64xf32, #tpu.memory_space<hbm>>
    %dma_start3A_34 = tpu.memref_squeeze %dma_start3A_33 : memref<1x10240x64xf32, #tpu.memory_space<hbm>> -> memref<10240x64xf32, #tpu.memory_space<hbm>>
    %dma_start3A_35 = arith.constant 0 : i32
    %dma_start3A_36 = arith.constant 0 : i32
    %dma_start3A_37 = tpu.memref_slice %dma_start3A_34[%dma_start3A_35, %dma_start3A_36] : memref<10240x64xf32, #tpu.memory_space<hbm>> -> memref<10240x64xf32, #tpu.memory_space<hbm>>
    tpu.enqueue_indirect_dma source(%dma_start3A_37 : memref<10240x64xf32, #tpu.memory_space<hbm>>) target(%arg11 : memref<125x64xf32, #tpu.memory_space<vmem>>) offsets(%dma_start3A_30 : memref<125xi32, #tpu.memory_space<vmem>>) semaphore(%arg16 : memref<!tpu.dma_semaphore, #tpu.memory_space<semaphore_mem>>)
    %scan3A = arith.constant 0 : i32
    %scan3A_38 = arith.constant 40 : i32
    %scan3A_39 = arith.addi %scan3A, %scan3A_38 : i32
    %scan3A_40 = arith.constant 1 : i32
    scf.for %scan3A_156 = %scan3A to %scan3A_39 step %scan3A_40  : i32 {
      %mul3A_157 = arith.constant 4 : i32
      %mul3A_158 = arith.muli %mul3A_157, %scan3A_156 : i32
      %add3A_159 = arith.constant 0 : i32
      %add3A_160 = arith.addi %mul3A_158, %add3A_159 : i32
      %dma_wait3A_161 = arith.constant 0 : i32
      %dma_wait3A_162 = tpu.memref_slice %arg7[%add3A_160, %dma_wait3A_161] : memref<160x125xi32, #tpu.memory_space<vmem>> -> memref<1x125xi32, #tpu.memory_space<vmem>>
      %dma_wait3A_163 = tpu.memref_squeeze %dma_wait3A_162 : memref<1x125xi32, #tpu.memory_space<vmem>> -> memref<125xi32, #tpu.memory_space<vmem>>
      %dma_wait3A_164 = arith.constant 0 : i32
      %dma_wait3A_165 = arith.constant 0 : i32
      %dma_wait3A_166 = tpu.memref_slice %arg2[%add3A_1, %dma_wait3A_164, %dma_wait3A_165] : memref<4x10240x64xf32, #tpu.memory_space<hbm>> -> memref<1x10240x64xf32, #tpu.memory_space<hbm>>
      %dma_wait3A_167 = tpu.memref_squeeze %dma_wait3A_166 : memref<1x10240x64xf32, #tpu.memory_space<hbm>> -> memref<10240x64xf32, #tpu.memory_space<hbm>>
      %dma_wait3A_168 = arith.constant 0 : i32
      %dma_wait3A_169 = arith.constant 0 : i32
      %dma_wait3A_170 = tpu.memref_slice %dma_wait3A_167[%dma_wait3A_168, %dma_wait3A_169] : memref<10240x64xf32, #tpu.memory_space<hbm>> -> memref<10240x64xf32, #tpu.memory_space<hbm>>
      tpu.wait_indirect_dma semaphore(%arg14 : memref<!tpu.dma_semaphore, #tpu.memory_space<semaphore_mem>>) src(%dma_wait3A_170 : memref<10240x64xf32, #tpu.memory_space<hbm>>) dst(%arg9 : memref<125x64xf32, #tpu.memory_space<vmem>>)
      %dma_start3A_171 = arith.constant 0 : i32
      %dma_start3A_172 = tpu.memref_slice %arg8[%add3A_160, %dma_start3A_171] : memref<160x125xi32, #tpu.memory_space<vmem>> -> memref<1x125xi32, #tpu.memory_space<vmem>>
      %dma_start3A_173 = tpu.memref_squeeze %dma_start3A_172 : memref<1x125xi32, #tpu.memory_space<vmem>> -> memref<125xi32, #tpu.memory_space<vmem>>
      %dma_start3A_174 = arith.constant 0 : i32
      %dma_start3A_175 = arith.constant 0 : i32
      %dma_start3A_176 = tpu.memref_slice %arg13[%dma_start3A_174, %dma_start3A_175] : memref<10240x64xf32, #tpu.memory_space<vmem_shared>> -> memref<10240x64xf32, #tpu.memory_space<vmem_shared>>
      tpu.enqueue_indirect_dma source(%arg9 : memref<125x64xf32, #tpu.memory_space<vmem>>) target(%dma_start3A_176 : memref<10240x64xf32, #tpu.memory_space<vmem_shared>>) offsets(%dma_start3A_173 : memref<125xi32, #tpu.memory_space<vmem>>) semaphore(%arg18 : memref<!tpu.dma_semaphore, #tpu.memory_space<semaphore_mem>>) {add = true}
      %add3A_177 = arith.constant 3 : i32
      %add3A_178 = arith.addi %add3A_160, %add3A_177 : i32
      %gt3A = arith.constant 0 : i32
      %gt3A_179 = arith.cmpi sgt, %scan3A_156, %gt3A : i32
      %lt3A = arith.constant 160 : i32
      %lt3A_180 = arith.cmpi slt, %add3A_178, %lt3A : i32
      %and3A = arith.andi %gt3A_179, %lt3A_180 : i1
      %convert_element_type3A = arith.extui %and3A : i1 to i32
      %cond3A = arith.constant 0 : i32
      %cond3A_181 = arith.cmpi ne, %convert_element_type3A, %cond3A : i32
      scf.if %cond3A_181 {
        %sub3A = arith.constant 1 : i32
        %sub3A_267 = arith.subi %add3A_160, %sub3A : i32
        %dma_wait3A_268 = arith.constant 0 : i32
        %dma_wait3A_269 = tpu.memref_slice %arg8[%sub3A_267, %dma_wait3A_268] : memref<160x125xi32, #tpu.memory_space<vmem>> -> memref<1x125xi32, #tpu.memory_space<vmem>>
        %dma_wait3A_270 = tpu.memref_squeeze %dma_wait3A_269 : memref<1x125xi32, #tpu.memory_space<vmem>> -> memref<125xi32, #tpu.memory_space<vmem>>
        %dma_wait3A_271 = arith.constant 0 : i32
        %dma_wait3A_272 = arith.constant 0 : i32
        %dma_wait3A_273 = tpu.memref_slice %arg13[%dma_wait3A_271, %dma_wait3A_272] : memref<10240x64xf32, #tpu.memory_space<vmem_shared>> -> memref<10240x64xf32, #tpu.memory_space<vmem_shared>>
        tpu.wait_indirect_dma semaphore(%arg21 : memref<!tpu.dma_semaphore, #tpu.memory_space<semaphore_mem>>) src(%arg12 : memref<125x64xf32, #tpu.memory_space<vmem>>) dst(%dma_wait3A_273 : memref<10240x64xf32, #tpu.memory_space<vmem_shared>>)
        %dma_start3A_274 = arith.constant 0 : i32
        %dma_start3A_275 = tpu.memref_slice %arg7[%add3A_178, %dma_start3A_274] : memref<160x125xi32, #tpu.memory_space<vmem>> -> memref<1x125xi32, #tpu.memory_space<vmem>>
        %dma_start3A_276 = tpu.memref_squeeze %dma_start3A_275 : memref<1x125xi32, #tpu.memory_space<vmem>> -> memref<125xi32, #tpu.memory_space<vmem>>
        %dma_start3A_277 = arith.constant 0 : i32
        %dma_start3A_278 = arith.constant 0 : i32
        %dma_start3A_279 = tpu.memref_slice %arg2[%add3A_1, %dma_start3A_277, %dma_start3A_278] : memref<4x10240x64xf32, #tpu.memory_space<hbm>> -> memref<1x10240x64xf32, #tpu.memory_space<hbm>>
        %dma_start3A_280 = tpu.memref_squeeze %dma_start3A_279 : memref<1x10240x64xf32, #tpu.memory_space<hbm>> -> memref<10240x64xf32, #tpu.memory_space<hbm>>
        %dma_start3A_281 = arith.constant 0 : i32
        %dma_start3A_282 = arith.constant 0 : i32
        %dma_start3A_283 = tpu.memref_slice %dma_start3A_280[%dma_start3A_281, %dma_start3A_282] : memref<10240x64xf32, #tpu.memory_space<hbm>> -> memref<10240x64xf32, #tpu.memory_space<hbm>>
        tpu.enqueue_indirect_dma source(%dma_start3A_283 : memref<10240x64xf32, #tpu.memory_space<hbm>>) target(%arg12 : memref<125x64xf32, #tpu.memory_space<vmem>>) offsets(%dma_start3A_276 : memref<125xi32, #tpu.memory_space<vmem>>) semaphore(%arg17 : memref<!tpu.dma_semaphore, #tpu.memory_space<semaphore_mem>>)
      } else {
      }
      %eq3A = arith.constant 0 : i32
      %eq3A_182 = arith.cmpi eq, %scan3A_156, %eq3A : i32
      %convert_element_type3A_183 = arith.extui %eq3A_182 : i1 to i32
      %cond3A_184 = arith.constant 0 : i32
      %cond3A_185 = arith.cmpi ne, %convert_element_type3A_183, %cond3A_184 : i32
      scf.if %cond3A_185 {
        %dma_start3A_267 = arith.constant 3 : i32
        %dma_start3A_268 = arith.constant 0 : i32
        %dma_start3A_269 = tpu.memref_slice %arg7[%dma_start3A_267, %dma_start3A_268] : memref<160x125xi32, #tpu.memory_space<vmem>> -> memref<1x125xi32, #tpu.memory_space<vmem>>
        %dma_start3A_270 = tpu.memref_squeeze %dma_start3A_269 : memref<1x125xi32, #tpu.memory_space<vmem>> -> memref<125xi32, #tpu.memory_space<vmem>>
        %dma_start3A_271 = arith.constant 0 : i32
        %dma_start3A_272 = arith.constant 0 : i32
        %dma_start3A_273 = tpu.memref_slice %arg2[%add3A_1, %dma_start3A_271, %dma_start3A_272] : memref<4x10240x64xf32, #tpu.memory_space<hbm>> -> memref<1x10240x64xf32, #tpu.memory_space<hbm>>
        %dma_start3A_274 = tpu.memref_squeeze %dma_start3A_273 : memref<1x10240x64xf32, #tpu.memory_space<hbm>> -> memref<10240x64xf32, #tpu.memory_space<hbm>>
        %dma_start3A_275 = arith.constant 0 : i32
        %dma_start3A_276 = arith.constant 0 : i32
        %dma_start3A_277 = tpu.memref_slice %dma_start3A_274[%dma_start3A_275, %dma_start3A_276] : memref<10240x64xf32, #tpu.memory_space<hbm>> -> memref<10240x64xf32, #tpu.memory_space<hbm>>
        tpu.enqueue_indirect_dma source(%dma_start3A_277 : memref<10240x64xf32, #tpu.memory_space<hbm>>) target(%arg12 : memref<125x64xf32, #tpu.memory_space<vmem>>) offsets(%dma_start3A_270 : memref<125xi32, #tpu.memory_space<vmem>>) semaphore(%arg17 : memref<!tpu.dma_semaphore, #tpu.memory_space<semaphore_mem>>)
      } else {
      }
      %mul3A_186 = arith.constant 4 : i32
      %mul3A_187 = arith.muli %mul3A_186, %scan3A_156 : i32
      %add3A_188 = arith.constant 1 : i32
      %add3A_189 = arith.addi %mul3A_187, %add3A_188 : i32
      %dma_wait3A_190 = arith.constant 0 : i32
      %dma_wait3A_191 = tpu.memref_slice %arg7[%add3A_189, %dma_wait3A_190] : memref<160x125xi32, #tpu.memory_space<vmem>> -> memref<1x125xi32, #tpu.memory_space<vmem>>
      %dma_wait3A_192 = tpu.memref_squeeze %dma_wait3A_191 : memref<1x125xi32, #tpu.memory_space<vmem>> -> memref<125xi32, #tpu.memory_space<vmem>>
      %dma_wait3A_193 = arith.constant 0 : i32
      %dma_wait3A_194 = arith.constant 0 : i32
      %dma_wait3A_195 = tpu.memref_slice %arg2[%add3A_1, %dma_wait3A_193, %dma_wait3A_194] : memref<4x10240x64xf32, #tpu.memory_space<hbm>> -> memref<1x10240x64xf32, #tpu.memory_space<hbm>>
      %dma_wait3A_196 = tpu.memref_squeeze %dma_wait3A_195 : memref<1x10240x64xf32, #tpu.memory_space<hbm>> -> memref<10240x64xf32, #tpu.memory_space<hbm>>
      %dma_wait3A_197 = arith.constant 0 : i32
      %dma_wait3A_198 = arith.constant 0 : i32
      %dma_wait3A_199 = tpu.memref_slice %dma_wait3A_196[%dma_wait3A_197, %dma_wait3A_198] : memref<10240x64xf32, #tpu.memory_space<hbm>> -> memref<10240x64xf32, #tpu.memory_space<hbm>>
      tpu.wait_indirect_dma semaphore(%arg15 : memref<!tpu.dma_semaphore, #tpu.memory_space<semaphore_mem>>) src(%dma_wait3A_199 : memref<10240x64xf32, #tpu.memory_space<hbm>>) dst(%arg10 : memref<125x64xf32, #tpu.memory_space<vmem>>)
      %dma_start3A_200 = arith.constant 0 : i32
      %dma_start3A_201 = tpu.memref_slice %arg8[%add3A_189, %dma_start3A_200] : memref<160x125xi32, #tpu.memory_space<vmem>> -> memref<1x125xi32, #tpu.memory_space<vmem>>
      %dma_start3A_202 = tpu.memref_squeeze %dma_start3A_201 : memref<1x125xi32, #tpu.memory_space<vmem>> -> memref<125xi32, #tpu.memory_space<vmem>>
      %dma_start3A_203 = arith.constant 0 : i32
      %dma_start3A_204 = arith.constant 0 : i32
      %dma_start3A_205 = tpu.memref_slice %arg13[%dma_start3A_203, %dma_start3A_204] : memref<10240x64xf32, #tpu.memory_space<vmem_shared>> -> memref<10240x64xf32, #tpu.memory_space<vmem_shared>>
      tpu.enqueue_indirect_dma source(%arg10 : memref<125x64xf32, #tpu.memory_space<vmem>>) target(%dma_start3A_205 : memref<10240x64xf32, #tpu.memory_space<vmem_shared>>) offsets(%dma_start3A_202 : memref<125xi32, #tpu.memory_space<vmem>>) semaphore(%arg19 : memref<!tpu.dma_semaphore, #tpu.memory_space<semaphore_mem>>) {add = true}
      %add3A_206 = arith.constant 3 : i32
      %add3A_207 = arith.addi %add3A_189, %add3A_206 : i32
      %lt3A_208 = arith.constant 160 : i32
      %lt3A_209 = arith.cmpi slt, %add3A_207, %lt3A_208 : i32
      %convert_element_type3A_210 = arith.extui %lt3A_209 : i1 to i32
      %cond3A_211 = arith.constant 0 : i32
      %cond3A_212 = arith.cmpi ne, %convert_element_type3A_210, %cond3A_211 : i32
      scf.if %cond3A_212 {
        %sub3A = arith.constant 1 : i32
        %sub3A_267 = arith.subi %add3A_189, %sub3A : i32
        %dma_wait3A_268 = arith.constant 0 : i32
        %dma_wait3A_269 = tpu.memref_slice %arg8[%sub3A_267, %dma_wait3A_268] : memref<160x125xi32, #tpu.memory_space<vmem>> -> memref<1x125xi32, #tpu.memory_space<vmem>>
        %dma_wait3A_270 = tpu.memref_squeeze %dma_wait3A_269 : memref<1x125xi32, #tpu.memory_space<vmem>> -> memref<125xi32, #tpu.memory_space<vmem>>
        %dma_wait3A_271 = arith.constant 0 : i32
        %dma_wait3A_272 = arith.constant 0 : i32
        %dma_wait3A_273 = tpu.memref_slice %arg13[%dma_wait3A_271, %dma_wait3A_272] : memref<10240x64xf32, #tpu.memory_space<vmem_shared>> -> memref<10240x64xf32, #tpu.memory_space<vmem_shared>>
        tpu.wait_indirect_dma semaphore(%arg18 : memref<!tpu.dma_semaphore, #tpu.memory_space<semaphore_mem>>) src(%arg9 : memref<125x64xf32, #tpu.memory_space<vmem>>) dst(%dma_wait3A_273 : memref<10240x64xf32, #tpu.memory_space<vmem_shared>>)
        %dma_start3A_274 = arith.constant 0 : i32
        %dma_start3A_275 = tpu.memref_slice %arg7[%add3A_207, %dma_start3A_274] : memref<160x125xi32, #tpu.memory_space<vmem>> -> memref<1x125xi32, #tpu.memory_space<vmem>>
        %dma_start3A_276 = tpu.memref_squeeze %dma_start3A_275 : memref<1x125xi32, #tpu.memory_space<vmem>> -> memref<125xi32, #tpu.memory_space<vmem>>
        %dma_start3A_277 = arith.constant 0 : i32
        %dma_start3A_278 = arith.constant 0 : i32
        %dma_start3A_279 = tpu.memref_slice %arg2[%add3A_1, %dma_start3A_277, %dma_start3A_278] : memref<4x10240x64xf32, #tpu.memory_space<hbm>> -> memref<1x10240x64xf32, #tpu.memory_space<hbm>>
        %dma_start3A_280 = tpu.memref_squeeze %dma_start3A_279 : memref<1x10240x64xf32, #tpu.memory_space<hbm>> -> memref<10240x64xf32, #tpu.memory_space<hbm>>
        %dma_start3A_281 = arith.constant 0 : i32
        %dma_start3A_282 = arith.constant 0 : i32
        %dma_start3A_283 = tpu.memref_slice %dma_start3A_280[%dma_start3A_281, %dma_start3A_282] : memref<10240x64xf32, #tpu.memory_space<hbm>> -> memref<10240x64xf32, #tpu.memory_space<hbm>>
        tpu.enqueue_indirect_dma source(%dma_start3A_283 : memref<10240x64xf32, #tpu.memory_space<hbm>>) target(%arg9 : memref<125x64xf32, #tpu.memory_space<vmem>>) offsets(%dma_start3A_276 : memref<125xi32, #tpu.memory_space<vmem>>) semaphore(%arg14 : memref<!tpu.dma_semaphore, #tpu.memory_space<semaphore_mem>>)
      } else {
      }
      %mul3A_213 = arith.constant 4 : i32
      %mul3A_214 = arith.muli %mul3A_213, %scan3A_156 : i32
      %add3A_215 = arith.constant 2 : i32
      %add3A_216 = arith.addi %mul3A_214, %add3A_215 : i32
      %dma_wait3A_217 = arith.constant 0 : i32
      %dma_wait3A_218 = tpu.memref_slice %arg7[%add3A_216, %dma_wait3A_217] : memref<160x125xi32, #tpu.memory_space<vmem>> -> memref<1x125xi32, #tpu.memory_space<vmem>>
      %dma_wait3A_219 = tpu.memref_squeeze %dma_wait3A_218 : memref<1x125xi32, #tpu.memory_space<vmem>> -> memref<125xi32, #tpu.memory_space<vmem>>
      %dma_wait3A_220 = arith.constant 0 : i32
      %dma_wait3A_221 = arith.constant 0 : i32
      %dma_wait3A_222 = tpu.memref_slice %arg2[%add3A_1, %dma_wait3A_220, %dma_wait3A_221] : memref<4x10240x64xf32, #tpu.memory_space<hbm>> -> memref<1x10240x64xf32, #tpu.memory_space<hbm>>
      %dma_wait3A_223 = tpu.memref_squeeze %dma_wait3A_222 : memref<1x10240x64xf32, #tpu.memory_space<hbm>> -> memref<10240x64xf32, #tpu.memory_space<hbm>>
      %dma_wait3A_224 = arith.constant 0 : i32
      %dma_wait3A_225 = arith.constant 0 : i32
      %dma_wait3A_226 = tpu.memref_slice %dma_wait3A_223[%dma_wait3A_224, %dma_wait3A_225] : memref<10240x64xf32, #tpu.memory_space<hbm>> -> memref<10240x64xf32, #tpu.memory_space<hbm>>
      tpu.wait_indirect_dma semaphore(%arg16 : memref<!tpu.dma_semaphore, #tpu.memory_space<semaphore_mem>>) src(%dma_wait3A_226 : memref<10240x64xf32, #tpu.memory_space<hbm>>) dst(%arg11 : memref<125x64xf32, #tpu.memory_space<vmem>>)
      %dma_start3A_227 = arith.constant 0 : i32
      %dma_start3A_228 = tpu.memref_slice %arg8[%add3A_216, %dma_start3A_227] : memref<160x125xi32, #tpu.memory_space<vmem>> -> memref<1x125xi32, #tpu.memory_space<vmem>>
      %dma_start3A_229 = tpu.memref_squeeze %dma_start3A_228 : memref<1x125xi32, #tpu.memory_space<vmem>> -> memref<125xi32, #tpu.memory_space<vmem>>
      %dma_start3A_230 = arith.constant 0 : i32
      %dma_start3A_231 = arith.constant 0 : i32
      %dma_start3A_232 = tpu.memref_slice %arg13[%dma_start3A_230, %dma_start3A_231] : memref<10240x64xf32, #tpu.memory_space<vmem_shared>> -> memref<10240x64xf32, #tpu.memory_space<vmem_shared>>
      tpu.enqueue_indirect_dma source(%arg11 : memref<125x64xf32, #tpu.memory_space<vmem>>) target(%dma_start3A_232 : memref<10240x64xf32, #tpu.memory_space<vmem_shared>>) offsets(%dma_start3A_229 : memref<125xi32, #tpu.memory_space<vmem>>) semaphore(%arg20 : memref<!tpu.dma_semaphore, #tpu.memory_space<semaphore_mem>>) {add = true}
      %add3A_233 = arith.constant 3 : i32
      %add3A_234 = arith.addi %add3A_216, %add3A_233 : i32
      %lt3A_235 = arith.constant 160 : i32
      %lt3A_236 = arith.cmpi slt, %add3A_234, %lt3A_235 : i32
      %convert_element_type3A_237 = arith.extui %lt3A_236 : i1 to i32
      %cond3A_238 = arith.constant 0 : i32
      %cond3A_239 = arith.cmpi ne, %convert_element_type3A_237, %cond3A_238 : i32
      scf.if %cond3A_239 {
        %sub3A = arith.constant 1 : i32
        %sub3A_267 = arith.subi %add3A_216, %sub3A : i32
        %dma_wait3A_268 = arith.constant 0 : i32
        %dma_wait3A_269 = tpu.memref_slice %arg8[%sub3A_267, %dma_wait3A_268] : memref<160x125xi32, #tpu.memory_space<vmem>> -> memref<1x125xi32, #tpu.memory_space<vmem>>
        %dma_wait3A_270 = tpu.memref_squeeze %dma_wait3A_269 : memref<1x125xi32, #tpu.memory_space<vmem>> -> memref<125xi32, #tpu.memory_space<vmem>>
        %dma_wait3A_271 = arith.constant 0 : i32
        %dma_wait3A_272 = arith.constant 0 : i32
        %dma_wait3A_273 = tpu.memref_slice %arg13[%dma_wait3A_271, %dma_wait3A_272] : memref<10240x64xf32, #tpu.memory_space<vmem_shared>> -> memref<10240x64xf32, #tpu.memory_space<vmem_shared>>
        tpu.wait_indirect_dma semaphore(%arg19 : memref<!tpu.dma_semaphore, #tpu.memory_space<semaphore_mem>>) src(%arg10 : memref<125x64xf32, #tpu.memory_space<vmem>>) dst(%dma_wait3A_273 : memref<10240x64xf32, #tpu.memory_space<vmem_shared>>)
        %dma_start3A_274 = arith.constant 0 : i32
        %dma_start3A_275 = tpu.memref_slice %arg7[%add3A_234, %dma_start3A_274] : memref<160x125xi32, #tpu.memory_space<vmem>> -> memref<1x125xi32, #tpu.memory_space<vmem>>
        %dma_start3A_276 = tpu.memref_squeeze %dma_start3A_275 : memref<1x125xi32, #tpu.memory_space<vmem>> -> memref<125xi32, #tpu.memory_space<vmem>>
        %dma_start3A_277 = arith.constant 0 : i32
        %dma_start3A_278 = arith.constant 0 : i32
        %dma_start3A_279 = tpu.memref_slice %arg2[%add3A_1, %dma_start3A_277, %dma_start3A_278] : memref<4x10240x64xf32, #tpu.memory_space<hbm>> -> memref<1x10240x64xf32, #tpu.memory_space<hbm>>
        %dma_start3A_280 = tpu.memref_squeeze %dma_start3A_279 : memref<1x10240x64xf32, #tpu.memory_space<hbm>> -> memref<10240x64xf32, #tpu.memory_space<hbm>>
        %dma_start3A_281 = arith.constant 0 : i32
        %dma_start3A_282 = arith.constant 0 : i32
        %dma_start3A_283 = tpu.memref_slice %dma_start3A_280[%dma_start3A_281, %dma_start3A_282] : memref<10240x64xf32, #tpu.memory_space<hbm>> -> memref<10240x64xf32, #tpu.memory_space<hbm>>
        tpu.enqueue_indirect_dma source(%dma_start3A_283 : memref<10240x64xf32, #tpu.memory_space<hbm>>) target(%arg10 : memref<125x64xf32, #tpu.memory_space<vmem>>) offsets(%dma_start3A_276 : memref<125xi32, #tpu.memory_space<vmem>>) semaphore(%arg15 : memref<!tpu.dma_semaphore, #tpu.memory_space<semaphore_mem>>)
      } else {
      }
      %mul3A_240 = arith.constant 4 : i32
      %mul3A_241 = arith.muli %mul3A_240, %scan3A_156 : i32
      %add3A_242 = arith.constant 3 : i32
      %add3A_243 = arith.addi %mul3A_241, %add3A_242 : i32
      %dma_wait3A_244 = arith.constant 0 : i32
      %dma_wait3A_245 = tpu.memref_slice %arg7[%add3A_243, %dma_wait3A_244] : memref<160x125xi32, #tpu.memory_space<vmem>> -> memref<1x125xi32, #tpu.memory_space<vmem>>
      %dma_wait3A_246 = tpu.memref_squeeze %dma_wait3A_245 : memref<1x125xi32, #tpu.memory_space<vmem>> -> memref<125xi32, #tpu.memory_space<vmem>>
      %dma_wait3A_247 = arith.constant 0 : i32
      %dma_wait3A_248 = arith.constant 0 : i32
      %dma_wait3A_249 = tpu.memref_slice %arg2[%add3A_1, %dma_wait3A_247, %dma_wait3A_248] : memref<4x10240x64xf32, #tpu.memory_space<hbm>> -> memref<1x10240x64xf32, #tpu.memory_space<hbm>>
      %dma_wait3A_250 = tpu.memref_squeeze %dma_wait3A_249 : memref<1x10240x64xf32, #tpu.memory_space<hbm>> -> memref<10240x64xf32, #tpu.memory_space<hbm>>
      %dma_wait3A_251 = arith.constant 0 : i32
      %dma_wait3A_252 = arith.constant 0 : i32
      %dma_wait3A_253 = tpu.memref_slice %dma_wait3A_250[%dma_wait3A_251, %dma_wait3A_252] : memref<10240x64xf32, #tpu.memory_space<hbm>> -> memref<10240x64xf32, #tpu.memory_space<hbm>>
      tpu.wait_indirect_dma semaphore(%arg17 : memref<!tpu.dma_semaphore, #tpu.memory_space<semaphore_mem>>) src(%dma_wait3A_253 : memref<10240x64xf32, #tpu.memory_space<hbm>>) dst(%arg12 : memref<125x64xf32, #tpu.memory_space<vmem>>)
      %dma_start3A_254 = arith.constant 0 : i32
      %dma_start3A_255 = tpu.memref_slice %arg8[%add3A_243, %dma_start3A_254] : memref<160x125xi32, #tpu.memory_space<vmem>> -> memref<1x125xi32, #tpu.memory_space<vmem>>
      %dma_start3A_256 = tpu.memref_squeeze %dma_start3A_255 : memref<1x125xi32, #tpu.memory_space<vmem>> -> memref<125xi32, #tpu.memory_space<vmem>>
      %dma_start3A_257 = arith.constant 0 : i32
      %dma_start3A_258 = arith.constant 0 : i32
      %dma_start3A_259 = tpu.memref_slice %arg13[%dma_start3A_257, %dma_start3A_258] : memref<10240x64xf32, #tpu.memory_space<vmem_shared>> -> memref<10240x64xf32, #tpu.memory_space<vmem_shared>>
      tpu.enqueue_indirect_dma source(%arg12 : memref<125x64xf32, #tpu.memory_space<vmem>>) target(%dma_start3A_259 : memref<10240x64xf32, #tpu.memory_space<vmem_shared>>) offsets(%dma_start3A_256 : memref<125xi32, #tpu.memory_space<vmem>>) semaphore(%arg21 : memref<!tpu.dma_semaphore, #tpu.memory_space<semaphore_mem>>) {add = true}
      %add3A_260 = arith.constant 3 : i32
      %add3A_261 = arith.addi %add3A_243, %add3A_260 : i32
      %lt3A_262 = arith.constant 160 : i32
      %lt3A_263 = arith.cmpi slt, %add3A_261, %lt3A_262 : i32
      %convert_element_type3A_264 = arith.extui %lt3A_263 : i1 to i32
      %cond3A_265 = arith.constant 0 : i32
      %cond3A_266 = arith.cmpi ne, %convert_element_type3A_264, %cond3A_265 : i32
      scf.if %cond3A_266 {
        %sub3A = arith.constant 1 : i32
        %sub3A_267 = arith.subi %add3A_243, %sub3A : i32
        %dma_wait3A_268 = arith.constant 0 : i32
        %dma_wait3A_269 = tpu.memref_slice %arg8[%sub3A_267, %dma_wait3A_268] : memref<160x125xi32, #tpu.memory_space<vmem>> -> memref<1x125xi32, #tpu.memory_space<vmem>>
        %dma_wait3A_270 = tpu.memref_squeeze %dma_wait3A_269 : memref<1x125xi32, #tpu.memory_space<vmem>> -> memref<125xi32, #tpu.memory_space<vmem>>
        %dma_wait3A_271 = arith.constant 0 : i32
        %dma_wait3A_272 = arith.constant 0 : i32
        %dma_wait3A_273 = tpu.memref_slice %arg13[%dma_wait3A_271, %dma_wait3A_272] : memref<10240x64xf32, #tpu.memory_space<vmem_shared>> -> memref<10240x64xf32, #tpu.memory_space<vmem_shared>>
        tpu.wait_indirect_dma semaphore(%arg20 : memref<!tpu.dma_semaphore, #tpu.memory_space<semaphore_mem>>) src(%arg11 : memref<125x64xf32, #tpu.memory_space<vmem>>) dst(%dma_wait3A_273 : memref<10240x64xf32, #tpu.memory_space<vmem_shared>>)
        %dma_start3A_274 = arith.constant 0 : i32
        %dma_start3A_275 = tpu.memref_slice %arg7[%add3A_261, %dma_start3A_274] : memref<160x125xi32, #tpu.memory_space<vmem>> -> memref<1x125xi32, #tpu.memory_space<vmem>>
        %dma_start3A_276 = tpu.memref_squeeze %dma_start3A_275 : memref<1x125xi32, #tpu.memory_space<vmem>> -> memref<125xi32, #tpu.memory_space<vmem>>
        %dma_start3A_277 = arith.constant 0 : i32
        %dma_start3A_278 = arith.constant 0 : i32
        %dma_start3A_279 = tpu.memref_slice %arg2[%add3A_1, %dma_start3A_277, %dma_start3A_278] : memref<4x10240x64xf32, #tpu.memory_space<hbm>> -> memref<1x10240x64xf32, #tpu.memory_space<hbm>>
        %dma_start3A_280 = tpu.memref_squeeze %dma_start3A_279 : memref<1x10240x64xf32, #tpu.memory_space<hbm>> -> memref<10240x64xf32, #tpu.memory_space<hbm>>
        %dma_start3A_281 = arith.constant 0 : i32
        %dma_start3A_282 = arith.constant 0 : i32
        %dma_start3A_283 = tpu.memref_slice %dma_start3A_280[%dma_start3A_281, %dma_start3A_282] : memref<10240x64xf32, #tpu.memory_space<hbm>> -> memref<10240x64xf32, #tpu.memory_space<hbm>>
        tpu.enqueue_indirect_dma source(%dma_start3A_283 : memref<10240x64xf32, #tpu.memory_space<hbm>>) target(%arg11 : memref<125x64xf32, #tpu.memory_space<vmem>>) offsets(%dma_start3A_276 : memref<125xi32, #tpu.memory_space<vmem>>) semaphore(%arg16 : memref<!tpu.dma_semaphore, #tpu.memory_space<semaphore_mem>>)
      } else {
      }
    }
    %scan3A_41 = arith.constant 40 : i32
    %dma_wait3A = arith.constant 156 : i32
    %dma_wait3A_42 = arith.constant 0 : i32
    %dma_wait3A_43 = tpu.memref_slice %arg8[%dma_wait3A, %dma_wait3A_42] : memref<160x125xi32, #tpu.memory_space<vmem>> -> memref<1x125xi32, #tpu.memory_space<vmem>>
    %dma_wait3A_44 = tpu.memref_squeeze %dma_wait3A_43 : memref<1x125xi32, #tpu.memory_space<vmem>> -> memref<125xi32, #tpu.memory_space<vmem>>
    %dma_wait3A_45 = arith.constant 0 : i32
    %dma_wait3A_46 = arith.constant 0 : i32
    %dma_wait3A_47 = tpu.memref_slice %arg13[%dma_wait3A_45, %dma_wait3A_46] : memref<10240x64xf32, #tpu.memory_space<vmem_shared>> -> memref<10240x64xf32, #tpu.memory_space<vmem_shared>>
    tpu.wait_indirect_dma semaphore(%arg18 : memref<!tpu.dma_semaphore, #tpu.memory_space<semaphore_mem>>) src(%arg9 : memref<125x64xf32, #tpu.memory_space<vmem>>) dst(%dma_wait3A_47 : memref<10240x64xf32, #tpu.memory_space<vmem_shared>>)
    %dma_wait3A_48 = arith.constant 157 : i32
    %dma_wait3A_49 = arith.constant 0 : i32
    %dma_wait3A_50 = tpu.memref_slice %arg8[%dma_wait3A_48, %dma_wait3A_49] : memref<160x125xi32, #tpu.memory_space<vmem>> -> memref<1x125xi32, #tpu.memory_space<vmem>>
    %dma_wait3A_51 = tpu.memref_squeeze %dma_wait3A_50 : memref<1x125xi32, #tpu.memory_space<vmem>> -> memref<125xi32, #tpu.memory_space<vmem>>
    %dma_wait3A_52 = arith.constant 0 : i32
    %dma_wait3A_53 = arith.constant 0 : i32
    %dma_wait3A_54 = tpu.memref_slice %arg13[%dma_wait3A_52, %dma_wait3A_53] : memref<10240x64xf32, #tpu.memory_space<vmem_shared>> -> memref<10240x64xf32, #tpu.memory_space<vmem_shared>>
    tpu.wait_indirect_dma semaphore(%arg19 : memref<!tpu.dma_semaphore, #tpu.memory_space<semaphore_mem>>) src(%arg10 : memref<125x64xf32, #tpu.memory_space<vmem>>) dst(%dma_wait3A_54 : memref<10240x64xf32, #tpu.memory_space<vmem_shared>>)
    %dma_wait3A_55 = arith.constant 158 : i32
    %dma_wait3A_56 = arith.constant 0 : i32
    %dma_wait3A_57 = tpu.memref_slice %arg8[%dma_wait3A_55, %dma_wait3A_56] : memref<160x125xi32, #tpu.memory_space<vmem>> -> memref<1x125xi32, #tpu.memory_space<vmem>>
    %dma_wait3A_58 = tpu.memref_squeeze %dma_wait3A_57 : memref<1x125xi32, #tpu.memory_space<vmem>> -> memref<125xi32, #tpu.memory_space<vmem>>
    %dma_wait3A_59 = arith.constant 0 : i32
    %dma_wait3A_60 = arith.constant 0 : i32
    %dma_wait3A_61 = tpu.memref_slice %arg13[%dma_wait3A_59, %dma_wait3A_60] : memref<10240x64xf32, #tpu.memory_space<vmem_shared>> -> memref<10240x64xf32, #tpu.memory_space<vmem_shared>>
    tpu.wait_indirect_dma semaphore(%arg20 : memref<!tpu.dma_semaphore, #tpu.memory_space<semaphore_mem>>) src(%arg11 : memref<125x64xf32, #tpu.memory_space<vmem>>) dst(%dma_wait3A_61 : memref<10240x64xf32, #tpu.memory_space<vmem_shared>>)
    %dma_wait3A_62 = arith.constant 159 : i32
    %dma_wait3A_63 = arith.constant 0 : i32
    %dma_wait3A_64 = tpu.memref_slice %arg8[%dma_wait3A_62, %dma_wait3A_63] : memref<160x125xi32, #tpu.memory_space<vmem>> -> memref<1x125xi32, #tpu.memory_space<vmem>>
    %dma_wait3A_65 = tpu.memref_squeeze %dma_wait3A_64 : memref<1x125xi32, #tpu.memory_space<vmem>> -> memref<125xi32, #tpu.memory_space<vmem>>
    %dma_wait3A_66 = arith.constant 0 : i32
    %dma_wait3A_67 = arith.constant 0 : i32
    %dma_wait3A_68 = tpu.memref_slice %arg13[%dma_wait3A_66, %dma_wait3A_67] : memref<10240x64xf32, #tpu.memory_space<vmem_shared>> -> memref<10240x64xf32, #tpu.memory_space<vmem_shared>>
    tpu.wait_indirect_dma semaphore(%arg21 : memref<!tpu.dma_semaphore, #tpu.memory_space<semaphore_mem>>) src(%arg12 : memref<125x64xf32, #tpu.memory_space<vmem>>) dst(%dma_wait3A_68 : memref<10240x64xf32, #tpu.memory_space<vmem_shared>>)
    %barrier3A_69 = arith.constant 0 : index
    tpu.barrier barrier_id(%barrier3A_69)
    %mul3A_70 = arith.constant 640 : i32
    %mul3A_71 = arith.muli %arg1, %mul3A_70 : i32
    %mul3A_72 = arith.constant 640 : i32
    %mul3A_73 = arith.muli %arg1, %mul3A_72 : i32
    "tpu.region"() ({
      %run_scoped3A = tpu.sem_alloc : memref<!tpu.dma_semaphore, #tpu.memory_space<semaphore_mem>>
      %dma_start3A_156 = arith.constant 0 : i32
      %dma_start3A_157 = tpu.memref_slice %arg6[%add3A_1, %mul3A_73, %dma_start3A_156] : memref<4x10240x64xf32, #tpu.memory_space<hbm>> -> memref<1x640x64xf32, #tpu.memory_space<hbm>>
      %dma_start3A_158 = tpu.memref_squeeze %dma_start3A_157 : memref<1x640x64xf32, #tpu.memory_space<hbm>> -> memref<640x64xf32, #tpu.memory_space<hbm>>
      %dma_start3A_159 = arith.constant 0 : i32
      %dma_start3A_160 = tpu.memref_slice %arg13[%mul3A_71, %dma_start3A_159] : memref<10240x64xf32, #tpu.memory_space<vmem_shared>> -> memref<640x64xf32, #tpu.memory_space<vmem_shared>>
      tpu.enqueue_dma source(%dma_start3A_160 : memref<640x64xf32, #tpu.memory_space<vmem_shared>>) target(%dma_start3A_158 : memref<640x64xf32, #tpu.memory_space<hbm>>) target_semaphore(%run_scoped3A : memref<!tpu.dma_semaphore, #tpu.memory_space<semaphore_mem>>)
      %dma_wait3A_161 = arith.constant 0 : i32
      %dma_wait3A_162 = tpu.memref_slice %arg6[%add3A_1, %mul3A_73, %dma_wait3A_161] : memref<4x10240x64xf32, #tpu.memory_space<hbm>> -> memref<1x640x64xf32, #tpu.memory_space<hbm>>
      %dma_wait3A_163 = tpu.memref_squeeze %dma_wait3A_162 : memref<1x640x64xf32, #tpu.memory_space<hbm>> -> memref<640x64xf32, #tpu.memory_space<hbm>>
      %dma_wait3A_164 = arith.constant 0 : i32
      %dma_wait3A_165 = tpu.memref_slice %arg13[%mul3A_71, %dma_wait3A_164] : memref<10240x64xf32, #tpu.memory_space<vmem_shared>> -> memref<640x64xf32, #tpu.memory_space<vmem_shared>>
      tpu.wait_dma2 semaphore(%run_scoped3A : memref<!tpu.dma_semaphore, #tpu.memory_space<semaphore_mem>>) src(%dma_wait3A_165 : memref<640x64xf32, #tpu.memory_space<vmem_shared>>) dst(%dma_wait3A_163 : memref<640x64xf32, #tpu.memory_space<hbm>>)
      tpu.yield
    }) : () -> ()
    %barrier3A_74 = arith.constant 0 : index
    tpu.barrier barrier_id(%barrier3A_74)
    %mul3A_75 = arith.constant 2 : i32
    %mul3A_76 = arith.muli %arg0, %mul3A_75 : i32
    %add3A_77 = arith.constant 1 : i32
    %add3A_78 = arith.addi %mul3A_76, %add3A_77 : i32
    %mul3A_79 = arith.constant 640 : i32
    %mul3A_80 = arith.muli %arg1, %mul3A_79 : i32
    %mul3A_81 = arith.constant 640 : i32
    %mul3A_82 = arith.muli %arg1, %mul3A_81 : i32
    "tpu.region"() ({
      %run_scoped3A = tpu.sem_alloc : memref<!tpu.dma_semaphore, #tpu.memory_space<semaphore_mem>>
      %dma_start3A_156 = arith.constant 0 : i32
      %dma_start3A_157 = tpu.memref_slice %arg13[%mul3A_82, %dma_start3A_156] : memref<10240x64xf32, #tpu.memory_space<vmem_shared>> -> memref<640x64xf32, #tpu.memory_space<vmem_shared>>
      %dma_start3A_158 = arith.constant 0 : i32
      %dma_start3A_159 = tpu.memref_slice %arg5[%mul3A_80, %dma_start3A_158] : memref<10240x64xf32, #tpu.memory_space<hbm>> -> memref<640x64xf32, #tpu.memory_space<hbm>>
      tpu.enqueue_dma source(%dma_start3A_159 : memref<640x64xf32, #tpu.memory_space<hbm>>) target(%dma_start3A_157 : memref<640x64xf32, #tpu.memory_space<vmem_shared>>) target_semaphore(%run_scoped3A : memref<!tpu.dma_semaphore, #tpu.memory_space<semaphore_mem>>)
      %dma_wait3A_160 = arith.constant 0 : i32
      %dma_wait3A_161 = tpu.memref_slice %arg13[%mul3A_82, %dma_wait3A_160] : memref<10240x64xf32, #tpu.memory_space<vmem_shared>> -> memref<640x64xf32, #tpu.memory_space<vmem_shared>>
      %dma_wait3A_162 = arith.constant 0 : i32
      %dma_wait3A_163 = tpu.memref_slice %arg5[%mul3A_80, %dma_wait3A_162] : memref<10240x64xf32, #tpu.memory_space<hbm>> -> memref<640x64xf32, #tpu.memory_space<hbm>>
      tpu.wait_dma2 semaphore(%run_scoped3A : memref<!tpu.dma_semaphore, #tpu.memory_space<semaphore_mem>>) src(%dma_wait3A_163 : memref<640x64xf32, #tpu.memory_space<hbm>>) dst(%dma_wait3A_161 : memref<640x64xf32, #tpu.memory_space<vmem_shared>>)
      tpu.yield
    }) : () -> ()
    %barrier3A_83 = arith.constant 0 : index
    tpu.barrier barrier_id(%barrier3A_83)
    %dma_start3A_84 = arith.constant 0 : i32
    %dma_start3A_85 = arith.constant 0 : i32
    %dma_start3A_86 = tpu.memref_slice %arg7[%dma_start3A_84, %dma_start3A_85] : memref<160x125xi32, #tpu.memory_space<vmem>> -> memref<1x125xi32, #tpu.memory_space<vmem>>
    %dma_start3A_87 = tpu.memref_squeeze %dma_start3A_86 : memref<1x125xi32, #tpu.memory_space<vmem>> -> memref<125xi32, #tpu.memory_space<vmem>>
    %dma_start3A_88 = arith.constant 0 : i32
    %dma_start3A_89 = arith.constant 0 : i32
    %dma_start3A_90 = tpu.memref_slice %arg2[%add3A_78, %dma_start3A_88, %dma_start3A_89] : memref<4x10240x64xf32, #tpu.memory_space<hbm>> -> memref<1x10240x64xf32, #tpu.memory_space<hbm>>
    %dma_start3A_91 = tpu.memref_squeeze %dma_start3A_90 : memref<1x10240x64xf32, #tpu.memory_space<hbm>> -> memref<10240x64xf32, #tpu.memory_space<hbm>>
    %dma_start3A_92 = arith.constant 0 : i32
    %dma_start3A_93 = arith.constant 0 : i32
    %dma_start3A_94 = tpu.memref_slice %dma_start3A_91[%dma_start3A_92, %dma_start3A_93] : memref<10240x64xf32, #tpu.memory_space<hbm>> -> memref<10240x64xf32, #tpu.memory_space<hbm>>
    tpu.enqueue_indirect_dma source(%dma_start3A_94 : memref<10240x64xf32, #tpu.memory_space<hbm>>) target(%arg9 : memref<125x64xf32, #tpu.memory_space<vmem>>) offsets(%dma_start3A_87 : memref<125xi32, #tpu.memory_space<vmem>>) semaphore(%arg14 : memref<!tpu.dma_semaphore, #tpu.memory_space<semaphore_mem>>)
    %dma_start3A_95 = arith.constant 1 : i32
    %dma_start3A_96 = arith.constant 0 : i32
    %dma_start3A_97 = tpu.memref_slice %arg7[%dma_start3A_95, %dma_start3A_96] : memref<160x125xi32, #tpu.memory_space<vmem>> -> memref<1x125xi32, #tpu.memory_space<vmem>>
    %dma_start3A_98 = tpu.memref_squeeze %dma_start3A_97 : memref<1x125xi32, #tpu.memory_space<vmem>> -> memref<125xi32, #tpu.memory_space<vmem>>
    %dma_start3A_99 = arith.constant 0 : i32
    %dma_start3A_100 = arith.constant 0 : i32
    %dma_start3A_101 = tpu.memref_slice %arg2[%add3A_78, %dma_start3A_99, %dma_start3A_100] : memref<4x10240x64xf32, #tpu.memory_space<hbm>> -> memref<1x10240x64xf32, #tpu.memory_space<hbm>>
    %dma_start3A_102 = tpu.memref_squeeze %dma_start3A_101 : memref<1x10240x64xf32, #tpu.memory_space<hbm>> -> memref<10240x64xf32, #tpu.memory_space<hbm>>
    %dma_start3A_103 = arith.constant 0 : i32
    %dma_start3A_104 = arith.constant 0 : i32
    %dma_start3A_105 = tpu.memref_slice %dma_start3A_102[%dma_start3A_103, %dma_start3A_104] : memref<10240x64xf32, #tpu.memory_space<hbm>> -> memref<10240x64xf32, #tpu.memory_space<hbm>>
    tpu.enqueue_indirect_dma source(%dma_start3A_105 : memref<10240x64xf32, #tpu.memory_space<hbm>>) target(%arg10 : memref<125x64xf32, #tpu.memory_space<vmem>>) offsets(%dma_start3A_98 : memref<125xi32, #tpu.memory_space<vmem>>) semaphore(%arg15 : memref<!tpu.dma_semaphore, #tpu.memory_space<semaphore_mem>>)
    %dma_start3A_106 = arith.constant 2 : i32
    %dma_start3A_107 = arith.constant 0 : i32
    %dma_start3A_108 = tpu.memref_slice %arg7[%dma_start3A_106, %dma_start3A_107] : memref<160x125xi32, #tpu.memory_space<vmem>> -> memref<1x125xi32, #tpu.memory_space<vmem>>
    %dma_start3A_109 = tpu.memref_squeeze %dma_start3A_108 : memref<1x125xi32, #tpu.memory_space<vmem>> -> memref<125xi32, #tpu.memory_space<vmem>>
    %dma_start3A_110 = arith.constant 0 : i32
    %dma_start3A_111 = arith.constant 0 : i32
    %dma_start3A_112 = tpu.memref_slice %arg2[%add3A_78, %dma_start3A_110, %dma_start3A_111] : memref<4x10240x64xf32, #tpu.memory_space<hbm>> -> memref<1x10240x64xf32, #tpu.memory_space<hbm>>
    %dma_start3A_113 = tpu.memref_squeeze %dma_start3A_112 : memref<1x10240x64xf32, #tpu.memory_space<hbm>> -> memref<10240x64xf32, #tpu.memory_space<hbm>>
    %dma_start3A_114 = arith.constant 0 : i32
    %dma_start3A_115 = arith.constant 0 : i32
    %dma_start3A_116 = tpu.memref_slice %dma_start3A_113[%dma_start3A_114, %dma_start3A_115] : memref<10240x64xf32, #tpu.memory_space<hbm>> -> memref<10240x64xf32, #tpu.memory_space<hbm>>
    tpu.enqueue_indirect_dma source(%dma_start3A_116 : memref<10240x64xf32, #tpu.memory_space<hbm>>) target(%arg11 : memref<125x64xf32, #tpu.memory_space<vmem>>) offsets(%dma_start3A_109 : memref<125xi32, #tpu.memory_space<vmem>>) semaphore(%arg16 : memref<!tpu.dma_semaphore, #tpu.memory_space<semaphore_mem>>)
    %scan3A_117 = arith.constant 0 : i32
    %scan3A_118 = arith.constant 40 : i32
    %scan3A_119 = arith.addi %scan3A_117, %scan3A_118 : i32
    %scan3A_120 = arith.constant 1 : i32
    scf.for %scan3A_156 = %scan3A_117 to %scan3A_119 step %scan3A_120  : i32 {
      %mul3A_157 = arith.constant 4 : i32
      %mul3A_158 = arith.muli %mul3A_157, %scan3A_156 : i32
      %add3A_159 = arith.constant 0 : i32
      %add3A_160 = arith.addi %mul3A_158, %add3A_159 : i32
      %dma_wait3A_161 = arith.constant 0 : i32
      %dma_wait3A_162 = tpu.memref_slice %arg7[%add3A_160, %dma_wait3A_161] : memref<160x125xi32, #tpu.memory_space<vmem>> -> memref<1x125xi32, #tpu.memory_space<vmem>>
      %dma_wait3A_163 = tpu.memref_squeeze %dma_wait3A_162 : memref<1x125xi32, #tpu.memory_space<vmem>> -> memref<125xi32, #tpu.memory_space<vmem>>
      %dma_wait3A_164 = arith.constant 0 : i32
      %dma_wait3A_165 = arith.constant 0 : i32
      %dma_wait3A_166 = tpu.memref_slice %arg2[%add3A_78, %dma_wait3A_164, %dma_wait3A_165] : memref<4x10240x64xf32, #tpu.memory_space<hbm>> -> memref<1x10240x64xf32, #tpu.memory_space<hbm>>
      %dma_wait3A_167 = tpu.memref_squeeze %dma_wait3A_166 : memref<1x10240x64xf32, #tpu.memory_space<hbm>> -> memref<10240x64xf32, #tpu.memory_space<hbm>>
      %dma_wait3A_168 = arith.constant 0 : i32
      %dma_wait3A_169 = arith.constant 0 : i32
      %dma_wait3A_170 = tpu.memref_slice %dma_wait3A_167[%dma_wait3A_168, %dma_wait3A_169] : memref<10240x64xf32, #tpu.memory_space<hbm>> -> memref<10240x64xf32, #tpu.memory_space<hbm>>
      tpu.wait_indirect_dma semaphore(%arg14 : memref<!tpu.dma_semaphore, #tpu.memory_space<semaphore_mem>>) src(%dma_wait3A_170 : memref<10240x64xf32, #tpu.memory_space<hbm>>) dst(%arg9 : memref<125x64xf32, #tpu.memory_space<vmem>>)
      %dma_start3A_171 = arith.constant 0 : i32
      %dma_start3A_172 = tpu.memref_slice %arg8[%add3A_160, %dma_start3A_171] : memref<160x125xi32, #tpu.memory_space<vmem>> -> memref<1x125xi32, #tpu.memory_space<vmem>>
      %dma_start3A_173 = tpu.memref_squeeze %dma_start3A_172 : memref<1x125xi32, #tpu.memory_space<vmem>> -> memref<125xi32, #tpu.memory_space<vmem>>
      %dma_start3A_174 = arith.constant 0 : i32
      %dma_start3A_175 = arith.constant 0 : i32
      %dma_start3A_176 = tpu.memref_slice %arg13[%dma_start3A_174, %dma_start3A_175] : memref<10240x64xf32, #tpu.memory_space<vmem_shared>> -> memref<10240x64xf32, #tpu.memory_space<vmem_shared>>
      tpu.enqueue_indirect_dma source(%arg9 : memref<125x64xf32, #tpu.memory_space<vmem>>) target(%dma_start3A_176 : memref<10240x64xf32, #tpu.memory_space<vmem_shared>>) offsets(%dma_start3A_173 : memref<125xi32, #tpu.memory_space<vmem>>) semaphore(%arg18 : memref<!tpu.dma_semaphore, #tpu.memory_space<semaphore_mem>>) {add = true}
      %add3A_177 = arith.constant 3 : i32
      %add3A_178 = arith.addi %add3A_160, %add3A_177 : i32
      %gt3A = arith.constant 0 : i32
      %gt3A_179 = arith.cmpi sgt, %scan3A_156, %gt3A : i32
      %lt3A = arith.constant 160 : i32
      %lt3A_180 = arith.cmpi slt, %add3A_178, %lt3A : i32
      %and3A = arith.andi %gt3A_179, %lt3A_180 : i1
      %convert_element_type3A = arith.extui %and3A : i1 to i32
      %cond3A = arith.constant 0 : i32
      %cond3A_181 = arith.cmpi ne, %convert_element_type3A, %cond3A : i32
      scf.if %cond3A_181 {
        %sub3A = arith.constant 1 : i32
        %sub3A_267 = arith.subi %add3A_160, %sub3A : i32
        %dma_wait3A_268 = arith.constant 0 : i32
        %dma_wait3A_269 = tpu.memref_slice %arg8[%sub3A_267, %dma_wait3A_268] : memref<160x125xi32, #tpu.memory_space<vmem>> -> memref<1x125xi32, #tpu.memory_space<vmem>>
        %dma_wait3A_270 = tpu.memref_squeeze %dma_wait3A_269 : memref<1x125xi32, #tpu.memory_space<vmem>> -> memref<125xi32, #tpu.memory_space<vmem>>
        %dma_wait3A_271 = arith.constant 0 : i32
        %dma_wait3A_272 = arith.constant 0 : i32
        %dma_wait3A_273 = tpu.memref_slice %arg13[%dma_wait3A_271, %dma_wait3A_272] : memref<10240x64xf32, #tpu.memory_space<vmem_shared>> -> memref<10240x64xf32, #tpu.memory_space<vmem_shared>>
        tpu.wait_indirect_dma semaphore(%arg21 : memref<!tpu.dma_semaphore, #tpu.memory_space<semaphore_mem>>) src(%arg12 : memref<125x64xf32, #tpu.memory_space<vmem>>) dst(%dma_wait3A_273 : memref<10240x64xf32, #tpu.memory_space<vmem_shared>>)
        %dma_start3A_274 = arith.constant 0 : i32
        %dma_start3A_275 = tpu.memref_slice %arg7[%add3A_178, %dma_start3A_274] : memref<160x125xi32, #tpu.memory_space<vmem>> -> memref<1x125xi32, #tpu.memory_space<vmem>>
        %dma_start3A_276 = tpu.memref_squeeze %dma_start3A_275 : memref<1x125xi32, #tpu.memory_space<vmem>> -> memref<125xi32, #tpu.memory_space<vmem>>
        %dma_start3A_277 = arith.constant 0 : i32
        %dma_start3A_278 = arith.constant 0 : i32
        %dma_start3A_279 = tpu.memref_slice %arg2[%add3A_78, %dma_start3A_277, %dma_start3A_278] : memref<4x10240x64xf32, #tpu.memory_space<hbm>> -> memref<1x10240x64xf32, #tpu.memory_space<hbm>>
        %dma_start3A_280 = tpu.memref_squeeze %dma_start3A_279 : memref<1x10240x64xf32, #tpu.memory_space<hbm>> -> memref<10240x64xf32, #tpu.memory_space<hbm>>
        %dma_start3A_281 = arith.constant 0 : i32
        %dma_start3A_282 = arith.constant 0 : i32
        %dma_start3A_283 = tpu.memref_slice %dma_start3A_280[%dma_start3A_281, %dma_start3A_282] : memref<10240x64xf32, #tpu.memory_space<hbm>> -> memref<10240x64xf32, #tpu.memory_space<hbm>>
        tpu.enqueue_indirect_dma source(%dma_start3A_283 : memref<10240x64xf32, #tpu.memory_space<hbm>>) target(%arg12 : memref<125x64xf32, #tpu.memory_space<vmem>>) offsets(%dma_start3A_276 : memref<125xi32, #tpu.memory_space<vmem>>) semaphore(%arg17 : memref<!tpu.dma_semaphore, #tpu.memory_space<semaphore_mem>>)
      } else {
      }
      %eq3A = arith.constant 0 : i32
      %eq3A_182 = arith.cmpi eq, %scan3A_156, %eq3A : i32
      %convert_element_type3A_183 = arith.extui %eq3A_182 : i1 to i32
      %cond3A_184 = arith.constant 0 : i32
      %cond3A_185 = arith.cmpi ne, %convert_element_type3A_183, %cond3A_184 : i32
      scf.if %cond3A_185 {
        %dma_start3A_267 = arith.constant 3 : i32
        %dma_start3A_268 = arith.constant 0 : i32
        %dma_start3A_269 = tpu.memref_slice %arg7[%dma_start3A_267, %dma_start3A_268] : memref<160x125xi32, #tpu.memory_space<vmem>> -> memref<1x125xi32, #tpu.memory_space<vmem>>
        %dma_start3A_270 = tpu.memref_squeeze %dma_start3A_269 : memref<1x125xi32, #tpu.memory_space<vmem>> -> memref<125xi32, #tpu.memory_space<vmem>>
        %dma_start3A_271 = arith.constant 0 : i32
        %dma_start3A_272 = arith.constant 0 : i32
        %dma_start3A_273 = tpu.memref_slice %arg2[%add3A_78, %dma_start3A_271, %dma_start3A_272] : memref<4x10240x64xf32, #tpu.memory_space<hbm>> -> memref<1x10240x64xf32, #tpu.memory_space<hbm>>
        %dma_start3A_274 = tpu.memref_squeeze %dma_start3A_273 : memref<1x10240x64xf32, #tpu.memory_space<hbm>> -> memref<10240x64xf32, #tpu.memory_space<hbm>>
        %dma_start3A_275 = arith.constant 0 : i32
        %dma_start3A_276 = arith.constant 0 : i32
        %dma_start3A_277 = tpu.memref_slice %dma_start3A_274[%dma_start3A_275, %dma_start3A_276] : memref<10240x64xf32, #tpu.memory_space<hbm>> -> memref<10240x64xf32, #tpu.memory_space<hbm>>
        tpu.enqueue_indirect_dma source(%dma_start3A_277 : memref<10240x64xf32, #tpu.memory_space<hbm>>) target(%arg12 : memref<125x64xf32, #tpu.memory_space<vmem>>) offsets(%dma_start3A_270 : memref<125xi32, #tpu.memory_space<vmem>>) semaphore(%arg17 : memref<!tpu.dma_semaphore, #tpu.memory_space<semaphore_mem>>)
      } else {
      }
      %mul3A_186 = arith.constant 4 : i32
      %mul3A_187 = arith.muli %mul3A_186, %scan3A_156 : i32
      %add3A_188 = arith.constant 1 : i32
      %add3A_189 = arith.addi %mul3A_187, %add3A_188 : i32
      %dma_wait3A_190 = arith.constant 0 : i32
      %dma_wait3A_191 = tpu.memref_slice %arg7[%add3A_189, %dma_wait3A_190] : memref<160x125xi32, #tpu.memory_space<vmem>> -> memref<1x125xi32, #tpu.memory_space<vmem>>
      %dma_wait3A_192 = tpu.memref_squeeze %dma_wait3A_191 : memref<1x125xi32, #tpu.memory_space<vmem>> -> memref<125xi32, #tpu.memory_space<vmem>>
      %dma_wait3A_193 = arith.constant 0 : i32
      %dma_wait3A_194 = arith.constant 0 : i32
      %dma_wait3A_195 = tpu.memref_slice %arg2[%add3A_78, %dma_wait3A_193, %dma_wait3A_194] : memref<4x10240x64xf32, #tpu.memory_space<hbm>> -> memref<1x10240x64xf32, #tpu.memory_space<hbm>>
      %dma_wait3A_196 = tpu.memref_squeeze %dma_wait3A_195 : memref<1x10240x64xf32, #tpu.memory_space<hbm>> -> memref<10240x64xf32, #tpu.memory_space<hbm>>
      %dma_wait3A_197 = arith.constant 0 : i32
      %dma_wait3A_198 = arith.constant 0 : i32
      %dma_wait3A_199 = tpu.memref_slice %dma_wait3A_196[%dma_wait3A_197, %dma_wait3A_198] : memref<10240x64xf32, #tpu.memory_space<hbm>> -> memref<10240x64xf32, #tpu.memory_space<hbm>>
      tpu.wait_indirect_dma semaphore(%arg15 : memref<!tpu.dma_semaphore, #tpu.memory_space<semaphore_mem>>) src(%dma_wait3A_199 : memref<10240x64xf32, #tpu.memory_space<hbm>>) dst(%arg10 : memref<125x64xf32, #tpu.memory_space<vmem>>)
      %dma_start3A_200 = arith.constant 0 : i32
      %dma_start3A_201 = tpu.memref_slice %arg8[%add3A_189, %dma_start3A_200] : memref<160x125xi32, #tpu.memory_space<vmem>> -> memref<1x125xi32, #tpu.memory_space<vmem>>
      %dma_start3A_202 = tpu.memref_squeeze %dma_start3A_201 : memref<1x125xi32, #tpu.memory_space<vmem>> -> memref<125xi32, #tpu.memory_space<vmem>>
      %dma_start3A_203 = arith.constant 0 : i32
      %dma_start3A_204 = arith.constant 0 : i32
      %dma_start3A_205 = tpu.memref_slice %arg13[%dma_start3A_203, %dma_start3A_204] : memref<10240x64xf32, #tpu.memory_space<vmem_shared>> -> memref<10240x64xf32, #tpu.memory_space<vmem_shared>>
      tpu.enqueue_indirect_dma source(%arg10 : memref<125x64xf32, #tpu.memory_space<vmem>>) target(%dma_start3A_205 : memref<10240x64xf32, #tpu.memory_space<vmem_shared>>) offsets(%dma_start3A_202 : memref<125xi32, #tpu.memory_space<vmem>>) semaphore(%arg19 : memref<!tpu.dma_semaphore, #tpu.memory_space<semaphore_mem>>) {add = true}
      %add3A_206 = arith.constant 3 : i32
      %add3A_207 = arith.addi %add3A_189, %add3A_206 : i32
      %lt3A_208 = arith.constant 160 : i32
      %lt3A_209 = arith.cmpi slt, %add3A_207, %lt3A_208 : i32
      %convert_element_type3A_210 = arith.extui %lt3A_209 : i1 to i32
      %cond3A_211 = arith.constant 0 : i32
      %cond3A_212 = arith.cmpi ne, %convert_element_type3A_210, %cond3A_211 : i32
      scf.if %cond3A_212 {
        %sub3A = arith.constant 1 : i32
        %sub3A_267 = arith.subi %add3A_189, %sub3A : i32
        %dma_wait3A_268 = arith.constant 0 : i32
        %dma_wait3A_269 = tpu.memref_slice %arg8[%sub3A_267, %dma_wait3A_268] : memref<160x125xi32, #tpu.memory_space<vmem>> -> memref<1x125xi32, #tpu.memory_space<vmem>>
        %dma_wait3A_270 = tpu.memref_squeeze %dma_wait3A_269 : memref<1x125xi32, #tpu.memory_space<vmem>> -> memref<125xi32, #tpu.memory_space<vmem>>
        %dma_wait3A_271 = arith.constant 0 : i32
        %dma_wait3A_272 = arith.constant 0 : i32
        %dma_wait3A_273 = tpu.memref_slice %arg13[%dma_wait3A_271, %dma_wait3A_272] : memref<10240x64xf32, #tpu.memory_space<vmem_shared>> -> memref<10240x64xf32, #tpu.memory_space<vmem_shared>>
        tpu.wait_indirect_dma semaphore(%arg18 : memref<!tpu.dma_semaphore, #tpu.memory_space<semaphore_mem>>) src(%arg9 : memref<125x64xf32, #tpu.memory_space<vmem>>) dst(%dma_wait3A_273 : memref<10240x64xf32, #tpu.memory_space<vmem_shared>>)
        %dma_start3A_274 = arith.constant 0 : i32
        %dma_start3A_275 = tpu.memref_slice %arg7[%add3A_207, %dma_start3A_274] : memref<160x125xi32, #tpu.memory_space<vmem>> -> memref<1x125xi32, #tpu.memory_space<vmem>>
        %dma_start3A_276 = tpu.memref_squeeze %dma_start3A_275 : memref<1x125xi32, #tpu.memory_space<vmem>> -> memref<125xi32, #tpu.memory_space<vmem>>
        %dma_start3A_277 = arith.constant 0 : i32
        %dma_start3A_278 = arith.constant 0 : i32
        %dma_start3A_279 = tpu.memref_slice %arg2[%add3A_78, %dma_start3A_277, %dma_start3A_278] : memref<4x10240x64xf32, #tpu.memory_space<hbm>> -> memref<1x10240x64xf32, #tpu.memory_space<hbm>>
        %dma_start3A_280 = tpu.memref_squeeze %dma_start3A_279 : memref<1x10240x64xf32, #tpu.memory_space<hbm>> -> memref<10240x64xf32, #tpu.memory_space<hbm>>
        %dma_start3A_281 = arith.constant 0 : i32
        %dma_start3A_282 = arith.constant 0 : i32
        %dma_start3A_283 = tpu.memref_slice %dma_start3A_280[%dma_start3A_281, %dma_start3A_282] : memref<10240x64xf32, #tpu.memory_space<hbm>> -> memref<10240x64xf32, #tpu.memory_space<hbm>>
        tpu.enqueue_indirect_dma source(%dma_start3A_283 : memref<10240x64xf32, #tpu.memory_space<hbm>>) target(%arg9 : memref<125x64xf32, #tpu.memory_space<vmem>>) offsets(%dma_start3A_276 : memref<125xi32, #tpu.memory_space<vmem>>) semaphore(%arg14 : memref<!tpu.dma_semaphore, #tpu.memory_space<semaphore_mem>>)
      } else {
      }
      %mul3A_213 = arith.constant 4 : i32
      %mul3A_214 = arith.muli %mul3A_213, %scan3A_156 : i32
      %add3A_215 = arith.constant 2 : i32
      %add3A_216 = arith.addi %mul3A_214, %add3A_215 : i32
      %dma_wait3A_217 = arith.constant 0 : i32
      %dma_wait3A_218 = tpu.memref_slice %arg7[%add3A_216, %dma_wait3A_217] : memref<160x125xi32, #tpu.memory_space<vmem>> -> memref<1x125xi32, #tpu.memory_space<vmem>>
      %dma_wait3A_219 = tpu.memref_squeeze %dma_wait3A_218 : memref<1x125xi32, #tpu.memory_space<vmem>> -> memref<125xi32, #tpu.memory_space<vmem>>
      %dma_wait3A_220 = arith.constant 0 : i32
      %dma_wait3A_221 = arith.constant 0 : i32
      %dma_wait3A_222 = tpu.memref_slice %arg2[%add3A_78, %dma_wait3A_220, %dma_wait3A_221] : memref<4x10240x64xf32, #tpu.memory_space<hbm>> -> memref<1x10240x64xf32, #tpu.memory_space<hbm>>
      %dma_wait3A_223 = tpu.memref_squeeze %dma_wait3A_222 : memref<1x10240x64xf32, #tpu.memory_space<hbm>> -> memref<10240x64xf32, #tpu.memory_space<hbm>>
      %dma_wait3A_224 = arith.constant 0 : i32
      %dma_wait3A_225 = arith.constant 0 : i32
      %dma_wait3A_226 = tpu.memref_slice %dma_wait3A_223[%dma_wait3A_224, %dma_wait3A_225] : memref<10240x64xf32, #tpu.memory_space<hbm>> -> memref<10240x64xf32, #tpu.memory_space<hbm>>
      tpu.wait_indirect_dma semaphore(%arg16 : memref<!tpu.dma_semaphore, #tpu.memory_space<semaphore_mem>>) src(%dma_wait3A_226 : memref<10240x64xf32, #tpu.memory_space<hbm>>) dst(%arg11 : memref<125x64xf32, #tpu.memory_space<vmem>>)
      %dma_start3A_227 = arith.constant 0 : i32
      %dma_start3A_228 = tpu.memref_slice %arg8[%add3A_216, %dma_start3A_227] : memref<160x125xi32, #tpu.memory_space<vmem>> -> memref<1x125xi32, #tpu.memory_space<vmem>>
      %dma_start3A_229 = tpu.memref_squeeze %dma_start3A_228 : memref<1x125xi32, #tpu.memory_space<vmem>> -> memref<125xi32, #tpu.memory_space<vmem>>
      %dma_start3A_230 = arith.constant 0 : i32
      %dma_start3A_231 = arith.constant 0 : i32
      %dma_start3A_232 = tpu.memref_slice %arg13[%dma_start3A_230, %dma_start3A_231] : memref<10240x64xf32, #tpu.memory_space<vmem_shared>> -> memref<10240x64xf32, #tpu.memory_space<vmem_shared>>
      tpu.enqueue_indirect_dma source(%arg11 : memref<125x64xf32, #tpu.memory_space<vmem>>) target(%dma_start3A_232 : memref<10240x64xf32, #tpu.memory_space<vmem_shared>>) offsets(%dma_start3A_229 : memref<125xi32, #tpu.memory_space<vmem>>) semaphore(%arg20 : memref<!tpu.dma_semaphore, #tpu.memory_space<semaphore_mem>>) {add = true}
      %add3A_233 = arith.constant 3 : i32
      %add3A_234 = arith.addi %add3A_216, %add3A_233 : i32
      %lt3A_235 = arith.constant 160 : i32
      %lt3A_236 = arith.cmpi slt, %add3A_234, %lt3A_235 : i32
      %convert_element_type3A_237 = arith.extui %lt3A_236 : i1 to i32
      %cond3A_238 = arith.constant 0 : i32
      %cond3A_239 = arith.cmpi ne, %convert_element_type3A_237, %cond3A_238 : i32
      scf.if %cond3A_239 {
        %sub3A = arith.constant 1 : i32
        %sub3A_267 = arith.subi %add3A_216, %sub3A : i32
        %dma_wait3A_268 = arith.constant 0 : i32
        %dma_wait3A_269 = tpu.memref_slice %arg8[%sub3A_267, %dma_wait3A_268] : memref<160x125xi32, #tpu.memory_space<vmem>> -> memref<1x125xi32, #tpu.memory_space<vmem>>
        %dma_wait3A_270 = tpu.memref_squeeze %dma_wait3A_269 : memref<1x125xi32, #tpu.memory_space<vmem>> -> memref<125xi32, #tpu.memory_space<vmem>>
        %dma_wait3A_271 = arith.constant 0 : i32
        %dma_wait3A_272 = arith.constant 0 : i32
        %dma_wait3A_273 = tpu.memref_slice %arg13[%dma_wait3A_271, %dma_wait3A_272] : memref<10240x64xf32, #tpu.memory_space<vmem_shared>> -> memref<10240x64xf32, #tpu.memory_space<vmem_shared>>
        tpu.wait_indirect_dma semaphore(%arg19 : memref<!tpu.dma_semaphore, #tpu.memory_space<semaphore_mem>>) src(%arg10 : memref<125x64xf32, #tpu.memory_space<vmem>>) dst(%dma_wait3A_273 : memref<10240x64xf32, #tpu.memory_space<vmem_shared>>)
        %dma_start3A_274 = arith.constant 0 : i32
        %dma_start3A_275 = tpu.memref_slice %arg7[%add3A_234, %dma_start3A_274] : memref<160x125xi32, #tpu.memory_space<vmem>> -> memref<1x125xi32, #tpu.memory_space<vmem>>
        %dma_start3A_276 = tpu.memref_squeeze %dma_start3A_275 : memref<1x125xi32, #tpu.memory_space<vmem>> -> memref<125xi32, #tpu.memory_space<vmem>>
        %dma_start3A_277 = arith.constant 0 : i32
        %dma_start3A_278 = arith.constant 0 : i32
        %dma_start3A_279 = tpu.memref_slice %arg2[%add3A_78, %dma_start3A_277, %dma_start3A_278] : memref<4x10240x64xf32, #tpu.memory_space<hbm>> -> memref<1x10240x64xf32, #tpu.memory_space<hbm>>
        %dma_start3A_280 = tpu.memref_squeeze %dma_start3A_279 : memref<1x10240x64xf32, #tpu.memory_space<hbm>> -> memref<10240x64xf32, #tpu.memory_space<hbm>>
        %dma_start3A_281 = arith.constant 0 : i32
        %dma_start3A_282 = arith.constant 0 : i32
        %dma_start3A_283 = tpu.memref_slice %dma_start3A_280[%dma_start3A_281, %dma_start3A_282] : memref<10240x64xf32, #tpu.memory_space<hbm>> -> memref<10240x64xf32, #tpu.memory_space<hbm>>
        tpu.enqueue_indirect_dma source(%dma_start3A_283 : memref<10240x64xf32, #tpu.memory_space<hbm>>) target(%arg10 : memref<125x64xf32, #tpu.memory_space<vmem>>) offsets(%dma_start3A_276 : memref<125xi32, #tpu.memory_space<vmem>>) semaphore(%arg15 : memref<!tpu.dma_semaphore, #tpu.memory_space<semaphore_mem>>)
      } else {
      }
      %mul3A_240 = arith.constant 4 : i32
      %mul3A_241 = arith.muli %mul3A_240, %scan3A_156 : i32
      %add3A_242 = arith.constant 3 : i32
      %add3A_243 = arith.addi %mul3A_241, %add3A_242 : i32
      %dma_wait3A_244 = arith.constant 0 : i32
      %dma_wait3A_245 = tpu.memref_slice %arg7[%add3A_243, %dma_wait3A_244] : memref<160x125xi32, #tpu.memory_space<vmem>> -> memref<1x125xi32, #tpu.memory_space<vmem>>
      %dma_wait3A_246 = tpu.memref_squeeze %dma_wait3A_245 : memref<1x125xi32, #tpu.memory_space<vmem>> -> memref<125xi32, #tpu.memory_space<vmem>>
      %dma_wait3A_247 = arith.constant 0 : i32
      %dma_wait3A_248 = arith.constant 0 : i32
      %dma_wait3A_249 = tpu.memref_slice %arg2[%add3A_78, %dma_wait3A_247, %dma_wait3A_248] : memref<4x10240x64xf32, #tpu.memory_space<hbm>> -> memref<1x10240x64xf32, #tpu.memory_space<hbm>>
      %dma_wait3A_250 = tpu.memref_squeeze %dma_wait3A_249 : memref<1x10240x64xf32, #tpu.memory_space<hbm>> -> memref<10240x64xf32, #tpu.memory_space<hbm>>
      %dma_wait3A_251 = arith.constant 0 : i32
      %dma_wait3A_252 = arith.constant 0 : i32
      %dma_wait3A_253 = tpu.memref_slice %dma_wait3A_250[%dma_wait3A_251, %dma_wait3A_252] : memref<10240x64xf32, #tpu.memory_space<hbm>> -> memref<10240x64xf32, #tpu.memory_space<hbm>>
      tpu.wait_indirect_dma semaphore(%arg17 : memref<!tpu.dma_semaphore, #tpu.memory_space<semaphore_mem>>) src(%dma_wait3A_253 : memref<10240x64xf32, #tpu.memory_space<hbm>>) dst(%arg12 : memref<125x64xf32, #tpu.memory_space<vmem>>)
      %dma_start3A_254 = arith.constant 0 : i32
      %dma_start3A_255 = tpu.memref_slice %arg8[%add3A_243, %dma_start3A_254] : memref<160x125xi32, #tpu.memory_space<vmem>> -> memref<1x125xi32, #tpu.memory_space<vmem>>
      %dma_start3A_256 = tpu.memref_squeeze %dma_start3A_255 : memref<1x125xi32, #tpu.memory_space<vmem>> -> memref<125xi32, #tpu.memory_space<vmem>>
      %dma_start3A_257 = arith.constant 0 : i32
      %dma_start3A_258 = arith.constant 0 : i32
      %dma_start3A_259 = tpu.memref_slice %arg13[%dma_start3A_257, %dma_start3A_258] : memref<10240x64xf32, #tpu.memory_space<vmem_shared>> -> memref<10240x64xf32, #tpu.memory_space<vmem_shared>>
      tpu.enqueue_indirect_dma source(%arg12 : memref<125x64xf32, #tpu.memory_space<vmem>>) target(%dma_start3A_259 : memref<10240x64xf32, #tpu.memory_space<vmem_shared>>) offsets(%dma_start3A_256 : memref<125xi32, #tpu.memory_space<vmem>>) semaphore(%arg21 : memref<!tpu.dma_semaphore, #tpu.memory_space<semaphore_mem>>) {add = true}
      %add3A_260 = arith.constant 3 : i32
      %add3A_261 = arith.addi %add3A_243, %add3A_260 : i32
      %lt3A_262 = arith.constant 160 : i32
      %lt3A_263 = arith.cmpi slt, %add3A_261, %lt3A_262 : i32
      %convert_element_type3A_264 = arith.extui %lt3A_263 : i1 to i32
      %cond3A_265 = arith.constant 0 : i32
      %cond3A_266 = arith.cmpi ne, %convert_element_type3A_264, %cond3A_265 : i32
      scf.if %cond3A_266 {
        %sub3A = arith.constant 1 : i32
        %sub3A_267 = arith.subi %add3A_243, %sub3A : i32
        %dma_wait3A_268 = arith.constant 0 : i32
        %dma_wait3A_269 = tpu.memref_slice %arg8[%sub3A_267, %dma_wait3A_268] : memref<160x125xi32, #tpu.memory_space<vmem>> -> memref<1x125xi32, #tpu.memory_space<vmem>>
        %dma_wait3A_270 = tpu.memref_squeeze %dma_wait3A_269 : memref<1x125xi32, #tpu.memory_space<vmem>> -> memref<125xi32, #tpu.memory_space<vmem>>
        %dma_wait3A_271 = arith.constant 0 : i32
        %dma_wait3A_272 = arith.constant 0 : i32
        %dma_wait3A_273 = tpu.memref_slice %arg13[%dma_wait3A_271, %dma_wait3A_272] : memref<10240x64xf32, #tpu.memory_space<vmem_shared>> -> memref<10240x64xf32, #tpu.memory_space<vmem_shared>>
        tpu.wait_indirect_dma semaphore(%arg20 : memref<!tpu.dma_semaphore, #tpu.memory_space<semaphore_mem>>) src(%arg11 : memref<125x64xf32, #tpu.memory_space<vmem>>) dst(%dma_wait3A_273 : memref<10240x64xf32, #tpu.memory_space<vmem_shared>>)
        %dma_start3A_274 = arith.constant 0 : i32
        %dma_start3A_275 = tpu.memref_slice %arg7[%add3A_261, %dma_start3A_274] : memref<160x125xi32, #tpu.memory_space<vmem>> -> memref<1x125xi32, #tpu.memory_space<vmem>>
        %dma_start3A_276 = tpu.memref_squeeze %dma_start3A_275 : memref<1x125xi32, #tpu.memory_space<vmem>> -> memref<125xi32, #tpu.memory_space<vmem>>
        %dma_start3A_277 = arith.constant 0 : i32
        %dma_start3A_278 = arith.constant 0 : i32
        %dma_start3A_279 = tpu.memref_slice %arg2[%add3A_78, %dma_start3A_277, %dma_start3A_278] : memref<4x10240x64xf32, #tpu.memory_space<hbm>> -> memref<1x10240x64xf32, #tpu.memory_space<hbm>>
        %dma_start3A_280 = tpu.memref_squeeze %dma_start3A_279 : memref<1x10240x64xf32, #tpu.memory_space<hbm>> -> memref<10240x64xf32, #tpu.memory_space<hbm>>
        %dma_start3A_281 = arith.constant 0 : i32
        %dma_start3A_282 = arith.constant 0 : i32
        %dma_start3A_283 = tpu.memref_slice %dma_start3A_280[%dma_start3A_281, %dma_start3A_282] : memref<10240x64xf32, #tpu.memory_space<hbm>> -> memref<10240x64xf32, #tpu.memory_space<hbm>>
        tpu.enqueue_indirect_dma source(%dma_start3A_283 : memref<10240x64xf32, #tpu.memory_space<hbm>>) target(%arg11 : memref<125x64xf32, #tpu.memory_space<vmem>>) offsets(%dma_start3A_276 : memref<125xi32, #tpu.memory_space<vmem>>) semaphore(%arg16 : memref<!tpu.dma_semaphore, #tpu.memory_space<semaphore_mem>>)
      } else {
      }
    }
    %scan3A_121 = arith.constant 40 : i32
    %dma_wait3A_122 = arith.constant 156 : i32
    %dma_wait3A_123 = arith.constant 0 : i32
    %dma_wait3A_124 = tpu.memref_slice %arg8[%dma_wait3A_122, %dma_wait3A_123] : memref<160x125xi32, #tpu.memory_space<vmem>> -> memref<1x125xi32, #tpu.memory_space<vmem>>
    %dma_wait3A_125 = tpu.memref_squeeze %dma_wait3A_124 : memref<1x125xi32, #tpu.memory_space<vmem>> -> memref<125xi32, #tpu.memory_space<vmem>>
    %dma_wait3A_126 = arith.constant 0 : i32
    %dma_wait3A_127 = arith.constant 0 : i32
    %dma_wait3A_128 = tpu.memref_slice %arg13[%dma_wait3A_126, %dma_wait3A_127] : memref<10240x64xf32, #tpu.memory_space<vmem_shared>> -> memref<10240x64xf32, #tpu.memory_space<vmem_shared>>
    tpu.wait_indirect_dma semaphore(%arg18 : memref<!tpu.dma_semaphore, #tpu.memory_space<semaphore_mem>>) src(%arg9 : memref<125x64xf32, #tpu.memory_space<vmem>>) dst(%dma_wait3A_128 : memref<10240x64xf32, #tpu.memory_space<vmem_shared>>)
    %dma_wait3A_129 = arith.constant 157 : i32
    %dma_wait3A_130 = arith.constant 0 : i32
    %dma_wait3A_131 = tpu.memref_slice %arg8[%dma_wait3A_129, %dma_wait3A_130] : memref<160x125xi32, #tpu.memory_space<vmem>> -> memref<1x125xi32, #tpu.memory_space<vmem>>
    %dma_wait3A_132 = tpu.memref_squeeze %dma_wait3A_131 : memref<1x125xi32, #tpu.memory_space<vmem>> -> memref<125xi32, #tpu.memory_space<vmem>>
    %dma_wait3A_133 = arith.constant 0 : i32
    %dma_wait3A_134 = arith.constant 0 : i32
    %dma_wait3A_135 = tpu.memref_slice %arg13[%dma_wait3A_133, %dma_wait3A_134] : memref<10240x64xf32, #tpu.memory_space<vmem_shared>> -> memref<10240x64xf32, #tpu.memory_space<vmem_shared>>
    tpu.wait_indirect_dma semaphore(%arg19 : memref<!tpu.dma_semaphore, #tpu.memory_space<semaphore_mem>>) src(%arg10 : memref<125x64xf32, #tpu.memory_space<vmem>>) dst(%dma_wait3A_135 : memref<10240x64xf32, #tpu.memory_space<vmem_shared>>)
    %dma_wait3A_136 = arith.constant 158 : i32
    %dma_wait3A_137 = arith.constant 0 : i32
    %dma_wait3A_138 = tpu.memref_slice %arg8[%dma_wait3A_136, %dma_wait3A_137] : memref<160x125xi32, #tpu.memory_space<vmem>> -> memref<1x125xi32, #tpu.memory_space<vmem>>
    %dma_wait3A_139 = tpu.memref_squeeze %dma_wait3A_138 : memref<1x125xi32, #tpu.memory_space<vmem>> -> memref<125xi32, #tpu.memory_space<vmem>>
    %dma_wait3A_140 = arith.constant 0 : i32
    %dma_wait3A_141 = arith.constant 0 : i32
    %dma_wait3A_142 = tpu.memref_slice %arg13[%dma_wait3A_140, %dma_wait3A_141] : memref<10240x64xf32, #tpu.memory_space<vmem_shared>> -> memref<10240x64xf32, #tpu.memory_space<vmem_shared>>
    tpu.wait_indirect_dma semaphore(%arg20 : memref<!tpu.dma_semaphore, #tpu.memory_space<semaphore_mem>>) src(%arg11 : memref<125x64xf32, #tpu.memory_space<vmem>>) dst(%dma_wait3A_142 : memref<10240x64xf32, #tpu.memory_space<vmem_shared>>)
    %dma_wait3A_143 = arith.constant 159 : i32
    %dma_wait3A_144 = arith.constant 0 : i32
    %dma_wait3A_145 = tpu.memref_slice %arg8[%dma_wait3A_143, %dma_wait3A_144] : memref<160x125xi32, #tpu.memory_space<vmem>> -> memref<1x125xi32, #tpu.memory_space<vmem>>
    %dma_wait3A_146 = tpu.memref_squeeze %dma_wait3A_145 : memref<1x125xi32, #tpu.memory_space<vmem>> -> memref<125xi32, #tpu.memory_space<vmem>>
    %dma_wait3A_147 = arith.constant 0 : i32
    %dma_wait3A_148 = arith.constant 0 : i32
    %dma_wait3A_149 = tpu.memref_slice %arg13[%dma_wait3A_147, %dma_wait3A_148] : memref<10240x64xf32, #tpu.memory_space<vmem_shared>> -> memref<10240x64xf32, #tpu.memory_space<vmem_shared>>
    tpu.wait_indirect_dma semaphore(%arg21 : memref<!tpu.dma_semaphore, #tpu.memory_space<semaphore_mem>>) src(%arg12 : memref<125x64xf32, #tpu.memory_space<vmem>>) dst(%dma_wait3A_149 : memref<10240x64xf32, #tpu.memory_space<vmem_shared>>)
    %barrier3A_150 = arith.constant 0 : index
    tpu.barrier barrier_id(%barrier3A_150)
    %mul3A_151 = arith.constant 640 : i32
    %mul3A_152 = arith.muli %arg1, %mul3A_151 : i32
    %mul3A_153 = arith.constant 640 : i32
    %mul3A_154 = arith.muli %arg1, %mul3A_153 : i32
    "tpu.region"() ({
      %run_scoped3A = tpu.sem_alloc : memref<!tpu.dma_semaphore, #tpu.memory_space<semaphore_mem>>
      %dma_start3A_156 = arith.constant 0 : i32
      %dma_start3A_157 = tpu.memref_slice %arg6[%add3A_78, %mul3A_154, %dma_start3A_156] : memref<4x10240x64xf32, #tpu.memory_space<hbm>> -> memref<1x640x64xf32, #tpu.memory_space<hbm>>
      %dma_start3A_158 = tpu.memref_squeeze %dma_start3A_157 : memref<1x640x64xf32, #tpu.memory_space<hbm>> -> memref<640x64xf32, #tpu.memory_space<hbm>>
      %dma_start3A_159 = arith.constant 0 : i32
      %dma_start3A_160 = tpu.memref_slice %arg13[%mul3A_152, %dma_start3A_159] : memref<10240x64xf32, #tpu.memory_space<vmem_shared>> -> memref<640x64xf32, #tpu.memory_space<vmem_shared>>
      tpu.enqueue_dma source(%dma_start3A_160 : memref<640x64xf32, #tpu.memory_space<vmem_shared>>) target(%dma_start3A_158 : memref<640x64xf32, #tpu.memory_space<hbm>>) target_semaphore(%run_scoped3A : memref<!tpu.dma_semaphore, #tpu.memory_space<semaphore_mem>>)
      %dma_wait3A_161 = arith.constant 0 : i32
      %dma_wait3A_162 = tpu.memref_slice %arg6[%add3A_78, %mul3A_154, %dma_wait3A_161] : memref<4x10240x64xf32, #tpu.memory_space<hbm>> -> memref<1x640x64xf32, #tpu.memory_space<hbm>>
      %dma_wait3A_163 = tpu.memref_squeeze %dma_wait3A_162 : memref<1x640x64xf32, #tpu.memory_space<hbm>> -> memref<640x64xf32, #tpu.memory_space<hbm>>
      %dma_wait3A_164 = arith.constant 0 : i32
      %dma_wait3A_165 = tpu.memref_slice %arg13[%mul3A_152, %dma_wait3A_164] : memref<10240x64xf32, #tpu.memory_space<vmem_shared>> -> memref<640x64xf32, #tpu.memory_space<vmem_shared>>
      tpu.wait_dma2 semaphore(%run_scoped3A : memref<!tpu.dma_semaphore, #tpu.memory_space<semaphore_mem>>) src(%dma_wait3A_165 : memref<640x64xf32, #tpu.memory_space<vmem_shared>>) dst(%dma_wait3A_163 : memref<640x64xf32, #tpu.memory_space<hbm>>)
      tpu.yield
    }) : () -> ()
    %barrier3A_155 = arith.constant 0 : index
    tpu.barrier barrier_id(%barrier3A_155)
    return
  }
}

module attributes {stable_mosaic.version = 14 : i64} {
  func.func @_mm_body(%arg0: i32, %arg1: memref<1000x128xf32, #tpu.memory_space<vmem>>, %arg2: memref<128x256xf32, #tpu.memory_space<vmem>>, %arg3: memref<2x1000x16xf32, #tpu.memory_space<vmem>>, %arg4: memref<4x1000x64xf32, #tpu.memory_space<vmem>>) attributes {dimension_semantics = [#tpu.dimension_semantics<arbitrary>], iteration_bounds = array<i64: 10>, scalar_prefetch = 0 : i64, scratch_operands = 0 : i64, tpu.core_type = #tpu.core_type<tc>, window_params = [{transform_indices = @transform_0, window_bounds = array<i64: 1000, 128>}, {pipeline_mode = #tpu.pipeline_mode<synchronous>, transform_indices = @transform_1, window_bounds = array<i64: 128, 256>}, {transform_indices = @transform_2, window_bounds = array<i64: 2, 1000, 16>}, {transform_indices = @transform_3, window_bounds = array<i64: 4, 1000, 64>}]} {
    %get3A = arith.constant 0 : index
    %get3A_0 = arith.constant 0 : index
    %get3A_1 = vector.load %arg1[%get3A, %get3A_0] : memref<1000x128xf32, #tpu.memory_space<vmem>>, vector<1000x128xf32>
    %get3A_2 = arith.constant 0 : index
    %get3A_3 = arith.constant 0 : index
    %get3A_4 = vector.load %arg2[%get3A_2, %get3A_3] : memref<128x256xf32, #tpu.memory_space<vmem>>, vector<128x256xf32>
    %dot_general3A = arith.constant dense<0.000000e+00> : vector<1000x256xf32>
    %dot_general3A_5 = tpu.matmul %get3A_1, %get3A_4, %dot_general3A {dimension_numbers = #tpu.dot_dimension_numbers<[1], [0], [0], [1], [0, 0, 1, 1], [], []>, transpose_lhs_hint = false} : vector<1000x128xf32>, vector<128x256xf32>, vector<1000x256xf32> -> vector<1000x256xf32>
    %get3A_6 = arith.constant 0 : index
    %get3A_7 = arith.constant 0 : index
    %get3A_8 = arith.constant 0 : index
    %get3A_9 = vector.load %arg3[%get3A_6, %get3A_7, %get3A_8] : memref<2x1000x16xf32, #tpu.memory_space<vmem>>, vector<1x1000x1xf32>
    %get3A_10 = vector.shape_cast %get3A_9 : vector<1x1000x1xf32> to vector<1000x1xf32>
    %get3A_11 = arith.constant 1 : index
    %get3A_12 = arith.constant 0 : index
    %get3A_13 = arith.constant 0 : index
    %get3A_14 = vector.load %arg3[%get3A_11, %get3A_12, %get3A_13] : memref<2x1000x16xf32, #tpu.memory_space<vmem>>, vector<1x1000x1xf32>
    %get3A_15 = vector.shape_cast %get3A_14 : vector<1x1000x1xf32> to vector<1000x1xf32>
    %add3A = arith.addf %get3A_10, %get3A_15 : vector<1000x1xf32>
    %add3A_16 = arith.constant 1.000000e+00 : f32
    %add3A_17 = vector.broadcast %add3A_16 : f32 to vector<1000x1xf32>
    %add3A_18 = arith.addf %add3A, %add3A_17 : vector<1000x1xf32>
    %rsqrt3A = math.rsqrt %add3A_18 : vector<1000x1xf32>
    %mul3A = vector.broadcast %rsqrt3A : vector<1000x1xf32> to vector<1000x256xf32>
    %mul3A_19 = arith.mulf %mul3A, %dot_general3A_5 : vector<1000x256xf32>
    %slice3A = vector.extract_strided_slice %mul3A_19 {offsets = [0, 0], sizes = [1000, 64], strides = [1, 1]} : vector<1000x256xf32> to vector<1000x64xf32>
    %swap3A = arith.constant 0 : index
    %swap3A_20 = arith.constant 0 : index
    %swap3A_21 = arith.constant 0 : index
    %swap3A_22 = vector.load %arg4[%swap3A, %swap3A_20, %swap3A_21] : memref<4x1000x64xf32, #tpu.memory_space<vmem>>, vector<1x1000x64xf32>
    %swap3A_23 = vector.shape_cast %swap3A_22 : vector<1x1000x64xf32> to vector<1000x64xf32>
    %swap3A_24 = vector.shape_cast %slice3A : vector<1000x64xf32> to vector<1x1000x64xf32>
    tpu.vector_store %arg4[%swap3A, %swap3A_20, %swap3A_21], %swap3A_24 {strides = array<i32>} : memref<4x1000x64xf32, #tpu.memory_space<vmem>>, vector<1x1000x64xf32>,
    %slice3A_25 = vector.extract_strided_slice %mul3A_19 {offsets = [0, 64], sizes = [1000, 64], strides = [1, 1]} : vector<1000x256xf32> to vector<1000x64xf32>
    %swap3A_26 = arith.constant 1 : index
    %swap3A_27 = arith.constant 0 : index
    %swap3A_28 = arith.constant 0 : index
    %swap3A_29 = vector.load %arg4[%swap3A_26, %swap3A_27, %swap3A_28] : memref<4x1000x64xf32, #tpu.memory_space<vmem>>, vector<1x1000x64xf32>
    %swap3A_30 = vector.shape_cast %swap3A_29 : vector<1x1000x64xf32> to vector<1000x64xf32>
    %swap3A_31 = vector.shape_cast %slice3A_25 : vector<1000x64xf32> to vector<1x1000x64xf32>
    tpu.vector_store %arg4[%swap3A_26, %swap3A_27, %swap3A_28], %swap3A_31 {strides = array<i32>} : memref<4x1000x64xf32, #tpu.memory_space<vmem>>, vector<1x1000x64xf32>,
    %slice3A_32 = vector.extract_strided_slice %mul3A_19 {offsets = [0, 128], sizes = [1000, 64], strides = [1, 1]} : vector<1000x256xf32> to vector<1000x64xf32>
    %swap3A_33 = arith.constant 2 : index
    %swap3A_34 = arith.constant 0 : index
    %swap3A_35 = arith.constant 0 : index
    %swap3A_36 = vector.load %arg4[%swap3A_33, %swap3A_34, %swap3A_35] : memref<4x1000x64xf32, #tpu.memory_space<vmem>>, vector<1x1000x64xf32>
    %swap3A_37 = vector.shape_cast %swap3A_36 : vector<1x1000x64xf32> to vector<1000x64xf32>
    %swap3A_38 = vector.shape_cast %slice3A_32 : vector<1000x64xf32> to vector<1x1000x64xf32>
    tpu.vector_store %arg4[%swap3A_33, %swap3A_34, %swap3A_35], %swap3A_38 {strides = array<i32>} : memref<4x1000x64xf32, #tpu.memory_space<vmem>>, vector<1x1000x64xf32>,
    %slice3A_39 = vector.extract_strided_slice %mul3A_19 {offsets = [0, 192], sizes = [1000, 64], strides = [1, 1]} : vector<1000x256xf32> to vector<1000x64xf32>
    %swap3A_40 = arith.constant 3 : index
    %swap3A_41 = arith.constant 0 : index
    %swap3A_42 = arith.constant 0 : index
    %swap3A_43 = vector.load %arg4[%swap3A_40, %swap3A_41, %swap3A_42] : memref<4x1000x64xf32, #tpu.memory_space<vmem>>, vector<1x1000x64xf32>
    %swap3A_44 = vector.shape_cast %swap3A_43 : vector<1x1000x64xf32> to vector<1000x64xf32>
    %swap3A_45 = vector.shape_cast %slice3A_39 : vector<1000x64xf32> to vector<1x1000x64xf32>
    tpu.vector_store %arg4[%swap3A_40, %swap3A_41, %swap3A_42], %swap3A_45 {strides = array<i32>} : memref<4x1000x64xf32, #tpu.memory_space<vmem>>, vector<1x1000x64xf32>,
    return
  }
  func.func @transform_0(%arg0: i32) -> (i32, i32) {
    %c0_i32 = arith.constant 0 : i32
    %c0_i32_0 = arith.constant 0 : i32
    return %arg0, %c0_i32 : i32, i32
  }
  func.func @transform_1(%arg0: i32) -> (i32, i32) {
    %c0_i32 = arith.constant 0 : i32
    %c0_i32_0 = arith.constant 0 : i32
    %c0_i32_1 = arith.constant 0 : i32
    return %c0_i32, %c0_i32_0 : i32, i32
  }
  func.func @transform_2(%arg0: i32) -> (i32, i32, i32) {
    %c0_i32 = arith.constant 0 : i32
    %c0_i32_0 = arith.constant 0 : i32
    %c0_i32_1 = arith.constant 0 : i32
    return %c0_i32, %arg0, %c0_i32_0 : i32, i32, i32
  }
  func.func @transform_3(%arg0: i32) -> (i32, i32, i32) {
    %c0_i32 = arith.constant 0 : i32
    %c0_i32_0 = arith.constant 0 : i32
    %c0_i32_1 = arith.constant 0 : i32
    return %c0_i32, %arg0, %c0_i32_0 : i32, i32, i32
  }
}

module attributes {stable_mosaic.version = 14 : i64} {
  func.func @_fin_wrap(%arg0: i32, %arg1: memref<4x1000x64xf32, #tpu.memory_space<vmem>>, %arg2: memref<4x1000x64xf32, #tpu.memory_space<vmem>>, %arg3: memref<2x1000x16xf32, #tpu.memory_space<vmem>>, %arg4: memref<4x64xf32, #tpu.memory_space<vmem>>, %arg5: memref<64x256xf32, #tpu.memory_space<vmem>>, %arg6: memref<64x256xf32, #tpu.memory_space<vmem>>, %arg7: memref<64x256xf32, #tpu.memory_space<vmem>>, %arg8: memref<64x256xf32, #tpu.memory_space<vmem>>, %arg9: memref<64x256xf32, #tpu.memory_space<vmem>>, %arg10: memref<64x256xf32, #tpu.memory_space<vmem>>, %arg11: memref<64x256xf32, #tpu.memory_space<vmem>>, %arg12: memref<64x256xf32, #tpu.memory_space<vmem>>, %arg13: memref<64x128xf32, #tpu.memory_space<vmem>>, %arg14: memref<64x128xf32, #tpu.memory_space<vmem>>, %arg15: memref<64x128xf32, #tpu.memory_space<vmem>>, %arg16: memref<64x128xf32, #tpu.memory_space<vmem>>, %arg17: memref<64x128xf32, #tpu.memory_space<vmem>>, %arg18: memref<64x128xf32, #tpu.memory_space<vmem>>, %arg19: memref<64x128xf32, #tpu.memory_space<vmem>>, %arg20: memref<64x128xf32, #tpu.memory_space<vmem>>, %arg21: memref<1x256xf32, #tpu.memory_space<vmem>>, %arg22: memref<1x256xf32, #tpu.memory_space<vmem>>, %arg23: memref<1x128xf32, #tpu.memory_space<vmem>>, %arg24: memref<1x128xf32, #tpu.memory_space<vmem>>, %arg25: memref<1x256xf32, #tpu.memory_space<vmem>>, %arg26: memref<1x256xf32, #tpu.memory_space<vmem>>, %arg27: memref<1x128xf32, #tpu.memory_space<vmem>>, %arg28: memref<1x128xf32, #tpu.memory_space<vmem>>, %arg29: memref<4x64xf32, #tpu.memory_space<vmem>>) attributes {dimension_semantics = [#tpu.dimension_semantics<arbitrary>], iteration_bounds = array<i64: 10>, scalar_prefetch = 0 : i64, scratch_operands = 1 : i64, tpu.core_type = #tpu.core_type<tc>, window_params = [{transform_indices = @transform_0, window_bounds = array<i64: 4, 1000, 64>}, {transform_indices = @transform_1, window_bounds = array<i64: 4, 1000, 64>}, {transform_indices = @transform_2, window_bounds = array<i64: 2, 1000, 16>}, {pipeline_mode = #tpu.pipeline_mode<synchronous>, transform_indices = @transform_3, window_bounds = array<i64: 4, 64>}, {pipeline_mode = #tpu.pipeline_mode<synchronous>, transform_indices = @transform_4, window_bounds = array<i64: 64, 256>}, {pipeline_mode = #tpu.pipeline_mode<synchronous>, transform_indices = @transform_5, window_bounds = array<i64: 64, 256>}, {pipeline_mode = #tpu.pipeline_mode<synchronous>, transform_indices = @transform_6, window_bounds = array<i64: 64, 256>}, {pipeline_mode = #tpu.pipeline_mode<synchronous>, transform_indices = @transform_7, window_bounds = array<i64: 64, 256>}, {pipeline_mode = #tpu.pipeline_mode<synchronous>, transform_indices = @transform_8, window_bounds = array<i64: 64, 256>}, {pipeline_mode = #tpu.pipeline_mode<synchronous>, transform_indices = @transform_9, window_bounds = array<i64: 64, 256>}, {pipeline_mode = #tpu.pipeline_mode<synchronous>, transform_indices = @transform_10, window_bounds = array<i64: 64, 256>}, {pipeline_mode = #tpu.pipeline_mode<synchronous>, transform_indices = @transform_11, window_bounds = array<i64: 64, 256>}, {pipeline_mode = #tpu.pipeline_mode<synchronous>, transform_indices = @transform_12, window_bounds = array<i64: 64, 128>}, {pipeline_mode = #tpu.pipeline_mode<synchronous>, transform_indices = @transform_13, window_bounds = array<i64: 64, 128>}, {pipeline_mode = #tpu.pipeline_mode<synchronous>, transform_indices = @transform_14, window_bounds = array<i64: 64, 128>}, {pipeline_mode = #tpu.pipeline_mode<synchronous>, transform_indices = @transform_15, window_bounds = array<i64: 64, 128>}, {pipeline_mode = #tpu.pipeline_mode<synchronous>, transform_indices = @transform_16, window_bounds = array<i64: 64, 128>}, {pipeline_mode = #tpu.pipeline_mode<synchronous>, transform_indices = @transform_17, window_bounds = array<i64: 64, 128>}, {pipeline_mode = #tpu.pipeline_mode<synchronous>, transform_indices = @transform_18, window_bounds = array<i64: 64, 128>}, {pipeline_mode = #tpu.pipeline_mode<synchronous>, transform_indices = @transform_19, window_bounds = array<i64: 64, 128>}, {pipeline_mode = #tpu.pipeline_mode<synchronous>, transform_indices = @transform_20, window_bounds = array<i64: 1, 256>}, {pipeline_mode = #tpu.pipeline_mode<synchronous>, transform_indices = @transform_21, window_bounds = array<i64: 1, 256>}, {pipeline_mode = #tpu.pipeline_mode<synchronous>, transform_indices = @transform_22, window_bounds = array<i64: 1, 128>}, {pipeline_mode = #tpu.pipeline_mode<synchronous>, transform_indices = @transform_23, window_bounds = array<i64: 1, 128>}, {pipeline_mode = #tpu.pipeline_mode<synchronous>, transform_indices = @transform_24, window_bounds = array<i64: 1, 256>}, {pipeline_mode = #tpu.pipeline_mode<synchronous>, transform_indices = @transform_25, window_bounds = array<i64: 1, 256>}, {pipeline_mode = #tpu.pipeline_mode<synchronous>, transform_indices = @transform_26, window_bounds = array<i64: 1, 128>}, {pipeline_mode = #tpu.pipeline_mode<synchronous>, transform_indices = @transform_27, window_bounds = array<i64: 1, 128>}]} {
    %get3A = arith.constant 0 : index
    %get3A_0 = arith.constant 0 : index
    %get3A_1 = arith.constant 0 : index
    %get3A_2 = vector.load %arg3[%get3A, %get3A_0, %get3A_1] : memref<2x1000x16xf32, #tpu.memory_space<vmem>>, vector<1x1000x1xf32>
    %get3A_3 = vector.shape_cast %get3A_2 : vector<1x1000x1xf32> to vector<1000x1xf32>
    %get3A_4 = arith.constant 1 : index
    %get3A_5 = arith.constant 0 : index
    %get3A_6 = arith.constant 0 : index
    %get3A_7 = vector.load %arg3[%get3A_4, %get3A_5, %get3A_6] : memref<2x1000x16xf32, #tpu.memory_space<vmem>>, vector<1x1000x1xf32>
    %get3A_8 = vector.shape_cast %get3A_7 : vector<1x1000x1xf32> to vector<1000x1xf32>
    %add3A = arith.addf %get3A_3, %get3A_8 : vector<1000x1xf32>
    %add3A_9 = arith.constant 1.000000e+00 : f32
    %add3A_10 = vector.broadcast %add3A_9 : f32 to vector<1000x1xf32>
    %add3A_11 = arith.addf %add3A, %add3A_10 : vector<1000x1xf32>
    %rsqrt3A = math.rsqrt %add3A_11 : vector<1000x1xf32>
    %eq3A = arith.constant 0 : i32
    %eq3A_12 = arith.cmpi eq, %arg0, %eq3A : i32
    %convert_element_type3A = arith.extui %eq3A_12 : i1 to i32
    %cond3A = arith.constant 0 : i32
    %cond3A_13 = arith.cmpi ne, %convert_element_type3A, %cond3A : i32
    scf.if %cond3A_13 {
      %broadcast_in_dim3A_138 = arith.constant 0.000000e+00 : f32
      %broadcast_in_dim3A_139 = vector.broadcast %broadcast_in_dim3A_138 : f32 to vector<4x64xf32>
      %swap3A_140 = arith.constant 0 : index
      %swap3A_141 = arith.constant 0 : index
      %swap3A_142 = vector.load %arg29[%swap3A_140, %swap3A_141] : memref<4x64xf32, #tpu.memory_space<vmem>>, vector<4x64xf32>
      tpu.vector_store %arg29[%swap3A_140, %swap3A_141], %broadcast_in_dim3A_139 {strides = array<i32>} : memref<4x64xf32, #tpu.memory_space<vmem>>, vector<4x64xf32>,
    } else {
    }
    %get3A_14 = arith.constant 0 : index
    %get3A_15 = arith.constant 0 : index
    %get3A_16 = arith.constant 0 : index
    %get3A_17 = vector.load %arg1[%get3A_14, %get3A_15, %get3A_16] : memref<4x1000x64xf32, #tpu.memory_space<vmem>>, vector<1x1000x64xf32>
    %get3A_18 = vector.shape_cast %get3A_17 : vector<1x1000x64xf32> to vector<1000x64xf32>
    %get3A_19 = arith.constant 0 : index
    %get3A_20 = arith.constant 0 : index
    %get3A_21 = arith.constant 0 : index
    %get3A_22 = vector.load %arg2[%get3A_19, %get3A_20, %get3A_21] : memref<4x1000x64xf32, #tpu.memory_space<vmem>>, vector<1x1000x64xf32>
    %get3A_23 = vector.shape_cast %get3A_22 : vector<1x1000x64xf32> to vector<1000x64xf32>
    %add3A_24 = arith.addf %get3A_18, %get3A_23 : vector<1000x64xf32>
    %mul3A = vector.broadcast %rsqrt3A : vector<1000x1xf32> to vector<1000x64xf32>
    %mul3A_25 = arith.mulf %mul3A, %add3A_24 : vector<1000x64xf32>
    %get3A_26 = arith.constant 0 : index
    %get3A_27 = arith.constant 0 : index
    %get3A_28 = vector.load %arg4[%get3A_26, %get3A_27] : memref<4x64xf32, #tpu.memory_space<vmem>>, vector<1x64xf32>
    %add3A_29 = vector.broadcast %get3A_28 : vector<1x64xf32> to vector<1000x64xf32>
    %add3A_30 = arith.addf %mul3A_25, %add3A_29 : vector<1000x64xf32>
    %max3A = arith.constant 0.000000e+00 : f32
    %max3A_31 = vector.broadcast %max3A : f32 to vector<1000x64xf32>
    %max3A_32 = arith.maximumf %add3A_30, %max3A_31 : vector<1000x64xf32>
    %get3A_33 = arith.constant 0 : index
    %get3A_34 = arith.constant 0 : index
    %get3A_35 = vector.load %arg29[%get3A_33, %get3A_34] : memref<4x64xf32, #tpu.memory_space<vmem>>, vector<1x64xf32>
    %reduce_sum3A = arith.constant dense<0.000000e+00> : vector<64xf32>
    %reduce_sum3A_36 = vector.multi_reduction <add>, %max3A_32, %reduce_sum3A [0] : vector<1000x64xf32> to vector<64xf32>
    %broadcast_in_dim3A = vector.shape_cast %reduce_sum3A_36 : vector<64xf32> to vector<1x64xf32>
    %add3A_37 = arith.addf %get3A_35, %broadcast_in_dim3A : vector<1x64xf32>
    %swap3A = arith.constant 0 : index
    %swap3A_38 = arith.constant 0 : index
    %swap3A_39 = vector.load %arg29[%swap3A, %swap3A_38] : memref<4x64xf32, #tpu.memory_space<vmem>>, vector<1x64xf32>
    tpu.vector_store %arg29[%swap3A, %swap3A_38], %add3A_37 {strides = array<i32>} : memref<4x64xf32, #tpu.memory_space<vmem>>, vector<1x64xf32>,
    %get3A_40 = arith.constant 1 : index
    %get3A_41 = arith.constant 0 : index
    %get3A_42 = arith.constant 0 : index
    %get3A_43 = vector.load %arg1[%get3A_40, %get3A_41, %get3A_42] : memref<4x1000x64xf32, #tpu.memory_space<vmem>>, vector<1x1000x64xf32>
    %get3A_44 = vector.shape_cast %get3A_43 : vector<1x1000x64xf32> to vector<1000x64xf32>
    %get3A_45 = arith.constant 1 : index
    %get3A_46 = arith.constant 0 : index
    %get3A_47 = arith.constant 0 : index
    %get3A_48 = vector.load %arg2[%get3A_45, %get3A_46, %get3A_47] : memref<4x1000x64xf32, #tpu.memory_space<vmem>>, vector<1x1000x64xf32>
    %get3A_49 = vector.shape_cast %get3A_48 : vector<1x1000x64xf32> to vector<1000x64xf32>
    %add3A_50 = arith.addf %get3A_44, %get3A_49 : vector<1000x64xf32>
    %mul3A_51 = vector.broadcast %rsqrt3A : vector<1000x1xf32> to vector<1000x64xf32>
    %mul3A_52 = arith.mulf %mul3A_51, %add3A_50 : vector<1000x64xf32>
    %get3A_53 = arith.constant 1 : index
    %get3A_54 = arith.constant 0 : index
    %get3A_55 = vector.load %arg4[%get3A_53, %get3A_54] : memref<4x64xf32, #tpu.memory_space<vmem>>, vector<1x64xf32>
    %add3A_56 = vector.broadcast %get3A_55 : vector<1x64xf32> to vector<1000x64xf32>
    %add3A_57 = arith.addf %mul3A_52, %add3A_56 : vector<1000x64xf32>
    %max3A_58 = arith.constant 0.000000e+00 : f32
    %max3A_59 = vector.broadcast %max3A_58 : f32 to vector<1000x64xf32>
    %max3A_60 = arith.maximumf %add3A_57, %max3A_59 : vector<1000x64xf32>
    %get3A_61 = arith.constant 1 : index
    %get3A_62 = arith.constant 0 : index
    %get3A_63 = vector.load %arg29[%get3A_61, %get3A_62] : memref<4x64xf32, #tpu.memory_space<vmem>>, vector<1x64xf32>
    %reduce_sum3A_64 = arith.constant dense<0.000000e+00> : vector<64xf32>
    %reduce_sum3A_65 = vector.multi_reduction <add>, %max3A_60, %reduce_sum3A_64 [0] : vector<1000x64xf32> to vector<64xf32>
    %broadcast_in_dim3A_66 = vector.shape_cast %reduce_sum3A_65 : vector<64xf32> to vector<1x64xf32>
    %add3A_67 = arith.addf %get3A_63, %broadcast_in_dim3A_66 : vector<1x64xf32>
    %swap3A_68 = arith.constant 1 : index
    %swap3A_69 = arith.constant 0 : index
    %swap3A_70 = vector.load %arg29[%swap3A_68, %swap3A_69] : memref<4x64xf32, #tpu.memory_space<vmem>>, vector<1x64xf32>
    tpu.vector_store %arg29[%swap3A_68, %swap3A_69], %add3A_67 {strides = array<i32>} : memref<4x64xf32, #tpu.memory_space<vmem>>, vector<1x64xf32>,
    %get3A_71 = arith.constant 2 : index
    %get3A_72 = arith.constant 0 : index
    %get3A_73 = arith.constant 0 : index
    %get3A_74 = vector.load %arg1[%get3A_71, %get3A_72, %get3A_73] : memref<4x1000x64xf32, #tpu.memory_space<vmem>>, vector<1x1000x64xf32>
    %get3A_75 = vector.shape_cast %get3A_74 : vector<1x1000x64xf32> to vector<1000x64xf32>
    %get3A_76 = arith.constant 2 : index
    %get3A_77 = arith.constant 0 : index
    %get3A_78 = arith.constant 0 : index
    %get3A_79 = vector.load %arg2[%get3A_76, %get3A_77, %get3A_78] : memref<4x1000x64xf32, #tpu.memory_space<vmem>>, vector<1x1000x64xf32>
    %get3A_80 = vector.shape_cast %get3A_79 : vector<1x1000x64xf32> to vector<1000x64xf32>
    %add3A_81 = arith.addf %get3A_75, %get3A_80 : vector<1000x64xf32>
    %mul3A_82 = vector.broadcast %rsqrt3A : vector<1000x1xf32> to vector<1000x64xf32>
    %mul3A_83 = arith.mulf %mul3A_82, %add3A_81 : vector<1000x64xf32>
    %get3A_84 = arith.constant 2 : index
    %get3A_85 = arith.constant 0 : index
    %get3A_86 = vector.load %arg4[%get3A_84, %get3A_85] : memref<4x64xf32, #tpu.memory_space<vmem>>, vector<1x64xf32>
    %add3A_87 = vector.broadcast %get3A_86 : vector<1x64xf32> to vector<1000x64xf32>
    %add3A_88 = arith.addf %mul3A_83, %add3A_87 : vector<1000x64xf32>
    %max3A_89 = arith.constant 0.000000e+00 : f32
    %max3A_90 = vector.broadcast %max3A_89 : f32 to vector<1000x64xf32>
    %max3A_91 = arith.maximumf %add3A_88, %max3A_90 : vector<1000x64xf32>
    %get3A_92 = arith.constant 2 : index
    %get3A_93 = arith.constant 0 : index
    %get3A_94 = vector.load %arg29[%get3A_92, %get3A_93] : memref<4x64xf32, #tpu.memory_space<vmem>>, vector<1x64xf32>
    %reduce_sum3A_95 = arith.constant dense<0.000000e+00> : vector<64xf32>
    %reduce_sum3A_96 = vector.multi_reduction <add>, %max3A_91, %reduce_sum3A_95 [0] : vector<1000x64xf32> to vector<64xf32>
    %broadcast_in_dim3A_97 = vector.shape_cast %reduce_sum3A_96 : vector<64xf32> to vector<1x64xf32>
    %add3A_98 = arith.addf %get3A_94, %broadcast_in_dim3A_97 : vector<1x64xf32>
    %swap3A_99 = arith.constant 2 : index
    %swap3A_100 = arith.constant 0 : index
    %swap3A_101 = vector.load %arg29[%swap3A_99, %swap3A_100] : memref<4x64xf32, #tpu.memory_space<vmem>>, vector<1x64xf32>
    tpu.vector_store %arg29[%swap3A_99, %swap3A_100], %add3A_98 {strides = array<i32>} : memref<4x64xf32, #tpu.memory_space<vmem>>, vector<1x64xf32>,
    %get3A_102 = arith.constant 3 : index
    %get3A_103 = arith.constant 0 : index
    %get3A_104 = arith.constant 0 : index
    %get3A_105 = vector.load %arg1[%get3A_102, %get3A_103, %get3A_104] : memref<4x1000x64xf32, #tpu.memory_space<vmem>>, vector<1x1000x64xf32>
    %get3A_106 = vector.shape_cast %get3A_105 : vector<1x1000x64xf32> to vector<1000x64xf32>
    %get3A_107 = arith.constant 3 : index
    %get3A_108 = arith.constant 0 : index
    %get3A_109 = arith.constant 0 : index
    %get3A_110 = vector.load %arg2[%get3A_107, %get3A_108, %get3A_109] : memref<4x1000x64xf32, #tpu.memory_space<vmem>>, vector<1x1000x64xf32>
    %get3A_111 = vector.shape_cast %get3A_110 : vector<1x1000x64xf32> to vector<1000x64xf32>
    %add3A_112 = arith.addf %get3A_106, %get3A_111 : vector<1000x64xf32>
    %mul3A_113 = vector.broadcast %rsqrt3A : vector<1000x1xf32> to vector<1000x64xf32>
    %mul3A_114 = arith.mulf %mul3A_113, %add3A_112 : vector<1000x64xf32>
    %get3A_115 = arith.constant 3 : index
    %get3A_116 = arith.constant 0 : index
    %get3A_117 = vector.load %arg4[%get3A_115, %get3A_116] : memref<4x64xf32, #tpu.memory_space<vmem>>, vector<1x64xf32>
    %add3A_118 = vector.broadcast %get3A_117 : vector<1x64xf32> to vector<1000x64xf32>
    %add3A_119 = arith.addf %mul3A_114, %add3A_118 : vector<1000x64xf32>
    %max3A_120 = arith.constant 0.000000e+00 : f32
    %max3A_121 = vector.broadcast %max3A_120 : f32 to vector<1000x64xf32>
    %max3A_122 = arith.maximumf %add3A_119, %max3A_121 : vector<1000x64xf32>
    %get3A_123 = arith.constant 3 : index
    %get3A_124 = arith.constant 0 : index
    %get3A_125 = vector.load %arg29[%get3A_123, %get3A_124] : memref<4x64xf32, #tpu.memory_space<vmem>>, vector<1x64xf32>
    %reduce_sum3A_126 = arith.constant dense<0.000000e+00> : vector<64xf32>
    %reduce_sum3A_127 = vector.multi_reduction <add>, %max3A_122, %reduce_sum3A_126 [0] : vector<1000x64xf32> to vector<64xf32>
    %broadcast_in_dim3A_128 = vector.shape_cast %reduce_sum3A_127 : vector<64xf32> to vector<1x64xf32>
    %add3A_129 = arith.addf %get3A_125, %broadcast_in_dim3A_128 : vector<1x64xf32>
    %swap3A_130 = arith.constant 3 : index
    %swap3A_131 = arith.constant 0 : index
    %swap3A_132 = vector.load %arg29[%swap3A_130, %swap3A_131] : memref<4x64xf32, #tpu.memory_space<vmem>>, vector<1x64xf32>
    tpu.vector_store %arg29[%swap3A_130, %swap3A_131], %add3A_129 {strides = array<i32>} : memref<4x64xf32, #tpu.memory_space<vmem>>, vector<1x64xf32>,
    %eq3A_133 = arith.constant 9 : i32
    %eq3A_134 = arith.cmpi eq, %arg0, %eq3A_133 : i32
    %convert_element_type3A_135 = arith.extui %eq3A_134 : i1 to i32
    %cond3A_136 = arith.constant 0 : i32
    %cond3A_137 = arith.cmpi ne, %convert_element_type3A_135, %cond3A_136 : i32
    scf.if %cond3A_137 {
      %get3A_138 = arith.constant 0 : index
      %get3A_139 = arith.constant 0 : index
      %get3A_140 = vector.load %arg21[%get3A_138, %get3A_139] : memref<1x256xf32, #tpu.memory_space<vmem>>, vector<1x256xf32>
      %get3A_141 = arith.constant 0 : index
      %get3A_142 = arith.constant 0 : index
      %get3A_143 = vector.load %arg29[%get3A_141, %get3A_142] : memref<4x64xf32, #tpu.memory_space<vmem>>, vector<1x64xf32>
      %get3A_144 = arith.constant 0 : index
      %get3A_145 = arith.constant 0 : index
      %get3A_146 = vector.load %arg5[%get3A_144, %get3A_145] : memref<64x256xf32, #tpu.memory_space<vmem>>, vector<64x256xf32>
      %dot_general3A = arith.constant dense<0.000000e+00> : vector<1x256xf32>
      %dot_general3A_147 = tpu.matmul %get3A_143, %get3A_146, %dot_general3A {dimension_numbers = #tpu.dot_dimension_numbers<[1], [0], [0], [1], [0, 0, 1, 1], [], []>, transpose_lhs_hint = false} : vector<1x64xf32>, vector<64x256xf32>, vector<1x256xf32> -> vector<1x256xf32>
      %add3A_148 = arith.addf %get3A_140, %dot_general3A_147 : vector<1x256xf32>
      %get3A_149 = arith.constant 1 : index
      %get3A_150 = arith.constant 0 : index
      %get3A_151 = vector.load %arg29[%get3A_149, %get3A_150] : memref<4x64xf32, #tpu.memory_space<vmem>>, vector<1x64xf32>
      %get3A_152 = arith.constant 0 : index
      %get3A_153 = arith.constant 0 : index
      %get3A_154 = vector.load %arg6[%get3A_152, %get3A_153] : memref<64x256xf32, #tpu.memory_space<vmem>>, vector<64x256xf32>
      %dot_general3A_155 = arith.constant dense<0.000000e+00> : vector<1x256xf32>
      %dot_general3A_156 = tpu.matmul %get3A_151, %get3A_154, %dot_general3A_155 {dimension_numbers = #tpu.dot_dimension_numbers<[1], [0], [0], [1], [0, 0, 1, 1], [], []>, transpose_lhs_hint = false} : vector<1x64xf32>, vector<64x256xf32>, vector<1x256xf32> -> vector<1x256xf32>
      %add3A_157 = arith.addf %add3A_148, %dot_general3A_156 : vector<1x256xf32>
      %get3A_158 = arith.constant 2 : index
      %get3A_159 = arith.constant 0 : index
      %get3A_160 = vector.load %arg29[%get3A_158, %get3A_159] : memref<4x64xf32, #tpu.memory_space<vmem>>, vector<1x64xf32>
      %get3A_161 = arith.constant 0 : index
      %get3A_162 = arith.constant 0 : index
      %get3A_163 = vector.load %arg7[%get3A_161, %get3A_162] : memref<64x256xf32, #tpu.memory_space<vmem>>, vector<64x256xf32>
      %dot_general3A_164 = arith.constant dense<0.000000e+00> : vector<1x256xf32>
      %dot_general3A_165 = tpu.matmul %get3A_160, %get3A_163, %dot_general3A_164 {dimension_numbers = #tpu.dot_dimension_numbers<[1], [0], [0], [1], [0, 0, 1, 1], [], []>, transpose_lhs_hint = false} : vector<1x64xf32>, vector<64x256xf32>, vector<1x256xf32> -> vector<1x256xf32>
      %add3A_166 = arith.addf %add3A_157, %dot_general3A_165 : vector<1x256xf32>
      %get3A_167 = arith.constant 3 : index
      %get3A_168 = arith.constant 0 : index
      %get3A_169 = vector.load %arg29[%get3A_167, %get3A_168] : memref<4x64xf32, #tpu.memory_space<vmem>>, vector<1x64xf32>
      %get3A_170 = arith.constant 0 : index
      %get3A_171 = arith.constant 0 : index
      %get3A_172 = vector.load %arg8[%get3A_170, %get3A_171] : memref<64x256xf32, #tpu.memory_space<vmem>>, vector<64x256xf32>
      %dot_general3A_173 = arith.constant dense<0.000000e+00> : vector<1x256xf32>
      %dot_general3A_174 = tpu.matmul %get3A_169, %get3A_172, %dot_general3A_173 {dimension_numbers = #tpu.dot_dimension_numbers<[1], [0], [0], [1], [0, 0, 1, 1], [], []>, transpose_lhs_hint = false} : vector<1x64xf32>, vector<64x256xf32>, vector<1x256xf32> -> vector<1x256xf32>
      %add3A_175 = arith.addf %add3A_166, %dot_general3A_174 : vector<1x256xf32>
      %tanh3A = math.tanh %add3A_175 : vector<1x256xf32>
      %swap3A_176 = arith.constant 0 : index
      %swap3A_177 = arith.constant 0 : index
      %swap3A_178 = vector.load %arg25[%swap3A_176, %swap3A_177] : memref<1x256xf32, #tpu.memory_space<vmem>>, vector<1x256xf32>
      tpu.vector_store %arg25[%swap3A_176, %swap3A_177], %tanh3A {strides = array<i32>} : memref<1x256xf32, #tpu.memory_space<vmem>>, vector<1x256xf32>,
      %get3A_179 = arith.constant 0 : index
      %get3A_180 = arith.constant 0 : index
      %get3A_181 = vector.load %arg22[%get3A_179, %get3A_180] : memref<1x256xf32, #tpu.memory_space<vmem>>, vector<1x256xf32>
      %get3A_182 = arith.constant 0 : index
      %get3A_183 = arith.constant 0 : index
      %get3A_184 = vector.load %arg29[%get3A_182, %get3A_183] : memref<4x64xf32, #tpu.memory_space<vmem>>, vector<1x64xf32>
      %get3A_185 = arith.constant 0 : index
      %get3A_186 = arith.constant 0 : index
      %get3A_187 = vector.load %arg9[%get3A_185, %get3A_186] : memref<64x256xf32, #tpu.memory_space<vmem>>, vector<64x256xf32>
      %dot_general3A_188 = arith.constant dense<0.000000e+00> : vector<1x256xf32>
      %dot_general3A_189 = tpu.matmul %get3A_184, %get3A_187, %dot_general3A_188 {dimension_numbers = #tpu.dot_dimension_numbers<[1], [0], [0], [1], [0, 0, 1, 1], [], []>, transpose_lhs_hint = false} : vector<1x64xf32>, vector<64x256xf32>, vector<1x256xf32> -> vector<1x256xf32>
      %add3A_190 = arith.addf %get3A_181, %dot_general3A_189 : vector<1x256xf32>
      %get3A_191 = arith.constant 1 : index
      %get3A_192 = arith.constant 0 : index
      %get3A_193 = vector.load %arg29[%get3A_191, %get3A_192] : memref<4x64xf32, #tpu.memory_space<vmem>>, vector<1x64xf32>
      %get3A_194 = arith.constant 0 : index
      %get3A_195 = arith.constant 0 : index
      %get3A_196 = vector.load %arg10[%get3A_194, %get3A_195] : memref<64x256xf32, #tpu.memory_space<vmem>>, vector<64x256xf32>
      %dot_general3A_197 = arith.constant dense<0.000000e+00> : vector<1x256xf32>
      %dot_general3A_198 = tpu.matmul %get3A_193, %get3A_196, %dot_general3A_197 {dimension_numbers = #tpu.dot_dimension_numbers<[1], [0], [0], [1], [0, 0, 1, 1], [], []>, transpose_lhs_hint = false} : vector<1x64xf32>, vector<64x256xf32>, vector<1x256xf32> -> vector<1x256xf32>
      %add3A_199 = arith.addf %add3A_190, %dot_general3A_198 : vector<1x256xf32>
      %get3A_200 = arith.constant 2 : index
      %get3A_201 = arith.constant 0 : index
      %get3A_202 = vector.load %arg29[%get3A_200, %get3A_201] : memref<4x64xf32, #tpu.memory_space<vmem>>, vector<1x64xf32>
      %get3A_203 = arith.constant 0 : index
      %get3A_204 = arith.constant 0 : index
      %get3A_205 = vector.load %arg11[%get3A_203, %get3A_204] : memref<64x256xf32, #tpu.memory_space<vmem>>, vector<64x256xf32>
      %dot_general3A_206 = arith.constant dense<0.000000e+00> : vector<1x256xf32>
      %dot_general3A_207 = tpu.matmul %get3A_202, %get3A_205, %dot_general3A_206 {dimension_numbers = #tpu.dot_dimension_numbers<[1], [0], [0], [1], [0, 0, 1, 1], [], []>, transpose_lhs_hint = false} : vector<1x64xf32>, vector<64x256xf32>, vector<1x256xf32> -> vector<1x256xf32>
      %add3A_208 = arith.addf %add3A_199, %dot_general3A_207 : vector<1x256xf32>
      %get3A_209 = arith.constant 3 : index
      %get3A_210 = arith.constant 0 : index
      %get3A_211 = vector.load %arg29[%get3A_209, %get3A_210] : memref<4x64xf32, #tpu.memory_space<vmem>>, vector<1x64xf32>
      %get3A_212 = arith.constant 0 : index
      %get3A_213 = arith.constant 0 : index
      %get3A_214 = vector.load %arg12[%get3A_212, %get3A_213] : memref<64x256xf32, #tpu.memory_space<vmem>>, vector<64x256xf32>
      %dot_general3A_215 = arith.constant dense<0.000000e+00> : vector<1x256xf32>
      %dot_general3A_216 = tpu.matmul %get3A_211, %get3A_214, %dot_general3A_215 {dimension_numbers = #tpu.dot_dimension_numbers<[1], [0], [0], [1], [0, 0, 1, 1], [], []>, transpose_lhs_hint = false} : vector<1x64xf32>, vector<64x256xf32>, vector<1x256xf32> -> vector<1x256xf32>
      %add3A_217 = arith.addf %add3A_208, %dot_general3A_216 : vector<1x256xf32>
      %tanh3A_218 = math.tanh %add3A_217 : vector<1x256xf32>
      %swap3A_219 = arith.constant 0 : index
      %swap3A_220 = arith.constant 0 : index
      %swap3A_221 = vector.load %arg26[%swap3A_219, %swap3A_220] : memref<1x256xf32, #tpu.memory_space<vmem>>, vector<1x256xf32>
      tpu.vector_store %arg26[%swap3A_219, %swap3A_220], %tanh3A_218 {strides = array<i32>} : memref<1x256xf32, #tpu.memory_space<vmem>>, vector<1x256xf32>,
      %get3A_222 = arith.constant 0 : index
      %get3A_223 = arith.constant 0 : index
      %get3A_224 = vector.load %arg23[%get3A_222, %get3A_223] : memref<1x128xf32, #tpu.memory_space<vmem>>, vector<1x128xf32>
      %get3A_225 = arith.constant 0 : index
      %get3A_226 = arith.constant 0 : index
      %get3A_227 = vector.load %arg29[%get3A_225, %get3A_226] : memref<4x64xf32, #tpu.memory_space<vmem>>, vector<1x64xf32>
      %get3A_228 = arith.constant 0 : index
      %get3A_229 = arith.constant 0 : index
      %get3A_230 = vector.load %arg13[%get3A_228, %get3A_229] : memref<64x128xf32, #tpu.memory_space<vmem>>, vector<64x128xf32>
      %dot_general3A_231 = arith.constant dense<0.000000e+00> : vector<1x128xf32>
      %dot_general3A_232 = tpu.matmul %get3A_227, %get3A_230, %dot_general3A_231 {dimension_numbers = #tpu.dot_dimension_numbers<[1], [0], [0], [1], [0, 0, 1, 1], [], []>, transpose_lhs_hint = false} : vector<1x64xf32>, vector<64x128xf32>, vector<1x128xf32> -> vector<1x128xf32>
      %add3A_233 = arith.addf %get3A_224, %dot_general3A_232 : vector<1x128xf32>
      %get3A_234 = arith.constant 1 : index
      %get3A_235 = arith.constant 0 : index
      %get3A_236 = vector.load %arg29[%get3A_234, %get3A_235] : memref<4x64xf32, #tpu.memory_space<vmem>>, vector<1x64xf32>
      %get3A_237 = arith.constant 0 : index
      %get3A_238 = arith.constant 0 : index
      %get3A_239 = vector.load %arg14[%get3A_237, %get3A_238] : memref<64x128xf32, #tpu.memory_space<vmem>>, vector<64x128xf32>
      %dot_general3A_240 = arith.constant dense<0.000000e+00> : vector<1x128xf32>
      %dot_general3A_241 = tpu.matmul %get3A_236, %get3A_239, %dot_general3A_240 {dimension_numbers = #tpu.dot_dimension_numbers<[1], [0], [0], [1], [0, 0, 1, 1], [], []>, transpose_lhs_hint = false} : vector<1x64xf32>, vector<64x128xf32>, vector<1x128xf32> -> vector<1x128xf32>
      %add3A_242 = arith.addf %add3A_233, %dot_general3A_241 : vector<1x128xf32>
      %get3A_243 = arith.constant 2 : index
      %get3A_244 = arith.constant 0 : index
      %get3A_245 = vector.load %arg29[%get3A_243, %get3A_244] : memref<4x64xf32, #tpu.memory_space<vmem>>, vector<1x64xf32>
      %get3A_246 = arith.constant 0 : index
      %get3A_247 = arith.constant 0 : index
      %get3A_248 = vector.load %arg15[%get3A_246, %get3A_247] : memref<64x128xf32, #tpu.memory_space<vmem>>, vector<64x128xf32>
      %dot_general3A_249 = arith.constant dense<0.000000e+00> : vector<1x128xf32>
      %dot_general3A_250 = tpu.matmul %get3A_245, %get3A_248, %dot_general3A_249 {dimension_numbers = #tpu.dot_dimension_numbers<[1], [0], [0], [1], [0, 0, 1, 1], [], []>, transpose_lhs_hint = false} : vector<1x64xf32>, vector<64x128xf32>, vector<1x128xf32> -> vector<1x128xf32>
      %add3A_251 = arith.addf %add3A_242, %dot_general3A_250 : vector<1x128xf32>
      %get3A_252 = arith.constant 3 : index
      %get3A_253 = arith.constant 0 : index
      %get3A_254 = vector.load %arg29[%get3A_252, %get3A_253] : memref<4x64xf32, #tpu.memory_space<vmem>>, vector<1x64xf32>
      %get3A_255 = arith.constant 0 : index
      %get3A_256 = arith.constant 0 : index
      %get3A_257 = vector.load %arg16[%get3A_255, %get3A_256] : memref<64x128xf32, #tpu.memory_space<vmem>>, vector<64x128xf32>
      %dot_general3A_258 = arith.constant dense<0.000000e+00> : vector<1x128xf32>
      %dot_general3A_259 = tpu.matmul %get3A_254, %get3A_257, %dot_general3A_258 {dimension_numbers = #tpu.dot_dimension_numbers<[1], [0], [0], [1], [0, 0, 1, 1], [], []>, transpose_lhs_hint = false} : vector<1x64xf32>, vector<64x128xf32>, vector<1x128xf32> -> vector<1x128xf32>
      %add3A_260 = arith.addf %add3A_251, %dot_general3A_259 : vector<1x128xf32>
      %tanh3A_261 = math.tanh %add3A_260 : vector<1x128xf32>
      %swap3A_262 = arith.constant 0 : index
      %swap3A_263 = arith.constant 0 : index
      %swap3A_264 = vector.load %arg27[%swap3A_262, %swap3A_263] : memref<1x128xf32, #tpu.memory_space<vmem>>, vector<1x128xf32>
      tpu.vector_store %arg27[%swap3A_262, %swap3A_263], %tanh3A_261 {strides = array<i32>} : memref<1x128xf32, #tpu.memory_space<vmem>>, vector<1x128xf32>,
      %get3A_265 = arith.constant 0 : index
      %get3A_266 = arith.constant 0 : index
      %get3A_267 = vector.load %arg24[%get3A_265, %get3A_266] : memref<1x128xf32, #tpu.memory_space<vmem>>, vector<1x128xf32>
      %get3A_268 = arith.constant 0 : index
      %get3A_269 = arith.constant 0 : index
      %get3A_270 = vector.load %arg29[%get3A_268, %get3A_269] : memref<4x64xf32, #tpu.memory_space<vmem>>, vector<1x64xf32>
      %get3A_271 = arith.constant 0 : index
      %get3A_272 = arith.constant 0 : index
      %get3A_273 = vector.load %arg17[%get3A_271, %get3A_272] : memref<64x128xf32, #tpu.memory_space<vmem>>, vector<64x128xf32>
      %dot_general3A_274 = arith.constant dense<0.000000e+00> : vector<1x128xf32>
      %dot_general3A_275 = tpu.matmul %get3A_270, %get3A_273, %dot_general3A_274 {dimension_numbers = #tpu.dot_dimension_numbers<[1], [0], [0], [1], [0, 0, 1, 1], [], []>, transpose_lhs_hint = false} : vector<1x64xf32>, vector<64x128xf32>, vector<1x128xf32> -> vector<1x128xf32>
      %add3A_276 = arith.addf %get3A_267, %dot_general3A_275 : vector<1x128xf32>
      %get3A_277 = arith.constant 1 : index
      %get3A_278 = arith.constant 0 : index
      %get3A_279 = vector.load %arg29[%get3A_277, %get3A_278] : memref<4x64xf32, #tpu.memory_space<vmem>>, vector<1x64xf32>
      %get3A_280 = arith.constant 0 : index
      %get3A_281 = arith.constant 0 : index
      %get3A_282 = vector.load %arg18[%get3A_280, %get3A_281] : memref<64x128xf32, #tpu.memory_space<vmem>>, vector<64x128xf32>
      %dot_general3A_283 = arith.constant dense<0.000000e+00> : vector<1x128xf32>
      %dot_general3A_284 = tpu.matmul %get3A_279, %get3A_282, %dot_general3A_283 {dimension_numbers = #tpu.dot_dimension_numbers<[1], [0], [0], [1], [0, 0, 1, 1], [], []>, transpose_lhs_hint = false} : vector<1x64xf32>, vector<64x128xf32>, vector<1x128xf32> -> vector<1x128xf32>
      %add3A_285 = arith.addf %add3A_276, %dot_general3A_284 : vector<1x128xf32>
      %get3A_286 = arith.constant 2 : index
      %get3A_287 = arith.constant 0 : index
      %get3A_288 = vector.load %arg29[%get3A_286, %get3A_287] : memref<4x64xf32, #tpu.memory_space<vmem>>, vector<1x64xf32>
      %get3A_289 = arith.constant 0 : index
      %get3A_290 = arith.constant 0 : index
      %get3A_291 = vector.load %arg19[%get3A_289, %get3A_290] : memref<64x128xf32, #tpu.memory_space<vmem>>, vector<64x128xf32>
      %dot_general3A_292 = arith.constant dense<0.000000e+00> : vector<1x128xf32>
      %dot_general3A_293 = tpu.matmul %get3A_288, %get3A_291, %dot_general3A_292 {dimension_numbers = #tpu.dot_dimension_numbers<[1], [0], [0], [1], [0, 0, 1, 1], [], []>, transpose_lhs_hint = false} : vector<1x64xf32>, vector<64x128xf32>, vector<1x128xf32> -> vector<1x128xf32>
      %add3A_294 = arith.addf %add3A_285, %dot_general3A_293 : vector<1x128xf32>
      %get3A_295 = arith.constant 3 : index
      %get3A_296 = arith.constant 0 : index
      %get3A_297 = vector.load %arg29[%get3A_295, %get3A_296] : memref<4x64xf32, #tpu.memory_space<vmem>>, vector<1x64xf32>
      %get3A_298 = arith.constant 0 : index
      %get3A_299 = arith.constant 0 : index
      %get3A_300 = vector.load %arg20[%get3A_298, %get3A_299] : memref<64x128xf32, #tpu.memory_space<vmem>>, vector<64x128xf32>
      %dot_general3A_301 = arith.constant dense<0.000000e+00> : vector<1x128xf32>
      %dot_general3A_302 = tpu.matmul %get3A_297, %get3A_300, %dot_general3A_301 {dimension_numbers = #tpu.dot_dimension_numbers<[1], [0], [0], [1], [0, 0, 1, 1], [], []>, transpose_lhs_hint = false} : vector<1x64xf32>, vector<64x128xf32>, vector<1x128xf32> -> vector<1x128xf32>
      %add3A_303 = arith.addf %add3A_294, %dot_general3A_302 : vector<1x128xf32>
      %tanh3A_304 = math.tanh %add3A_303 : vector<1x128xf32>
      %swap3A_305 = arith.constant 0 : index
      %swap3A_306 = arith.constant 0 : index
      %swap3A_307 = vector.load %arg28[%swap3A_305, %swap3A_306] : memref<1x128xf32, #tpu.memory_space<vmem>>, vector<1x128xf32>
      tpu.vector_store %arg28[%swap3A_305, %swap3A_306], %tanh3A_304 {strides = array<i32>} : memref<1x128xf32, #tpu.memory_space<vmem>>, vector<1x128xf32>,
    } else {
    }
    return
  }
  func.func @transform_0(%arg0: i32) -> (i32, i32, i32) {
    %c0_i32 = arith.constant 0 : i32
    %c0_i32_0 = arith.constant 0 : i32
    %c0_i32_1 = arith.constant 0 : i32
    return %c0_i32, %arg0, %c0_i32_0 : i32, i32, i32
  }
  func.func @transform_1(%arg0: i32) -> (i32, i32, i32) {
    %c0_i32 = arith.constant 0 : i32
    %c0_i32_0 = arith.constant 0 : i32
    %c0_i32_1 = arith.constant 0 : i32
    return %c0_i32, %arg0, %c0_i32_0 : i32, i32, i32
  }
  func.func @transform_2(%arg0: i32) -> (i32, i32, i32) {
    %c0_i32 = arith.constant 0 : i32
    %c0_i32_0 = arith.constant 0 : i32
    %c0_i32_1 = arith.constant 0 : i32
    return %c0_i32, %arg0, %c0_i32_0 : i32, i32, i32
  }
  func.func @transform_3(%arg0: i32) -> (i32, i32) {
    %c0_i32 = arith.constant 0 : i32
    %c0_i32_0 = arith.constant 0 : i32
    %c0_i32_1 = arith.constant 0 : i32
    return %c0_i32, %c0_i32_0 : i32, i32
  }
  func.func @transform_4(%arg0: i32) -> (i32, i32) {
    %c0_i32 = arith.constant 0 : i32
    %c0_i32_0 = arith.constant 0 : i32
    %c0_i32_1 = arith.constant 0 : i32
    return %c0_i32, %c0_i32_0 : i32, i32
  }
  func.func @transform_5(%arg0: i32) -> (i32, i32) {
    %c0_i32 = arith.constant 0 : i32
    %c0_i32_0 = arith.constant 0 : i32
    %c0_i32_1 = arith.constant 0 : i32
    return %c0_i32, %c0_i32_0 : i32, i32
  }
  func.func @transform_6(%arg0: i32) -> (i32, i32) {
    %c0_i32 = arith.constant 0 : i32
    %c0_i32_0 = arith.constant 0 : i32
    %c0_i32_1 = arith.constant 0 : i32
    return %c0_i32, %c0_i32_0 : i32, i32
  }
  func.func @transform_7(%arg0: i32) -> (i32, i32) {
    %c0_i32 = arith.constant 0 : i32
    %c0_i32_0 = arith.constant 0 : i32
    %c0_i32_1 = arith.constant 0 : i32
    return %c0_i32, %c0_i32_0 : i32, i32
  }
  func.func @transform_8(%arg0: i32) -> (i32, i32) {
    %c0_i32 = arith.constant 0 : i32
    %c0_i32_0 = arith.constant 0 : i32
    %c0_i32_1 = arith.constant 0 : i32
    return %c0_i32, %c0_i32_0 : i32, i32
  }
  func.func @transform_9(%arg0: i32) -> (i32, i32) {
    %c0_i32 = arith.constant 0 : i32
    %c0_i32_0 = arith.constant 0 : i32
    %c0_i32_1 = arith.constant 0 : i32
    return %c0_i32, %c0_i32_0 : i32, i32
  }
  func.func @transform_10(%arg0: i32) -> (i32, i32) {
    %c0_i32 = arith.constant 0 : i32
    %c0_i32_0 = arith.constant 0 : i32
    %c0_i32_1 = arith.constant 0 : i32
    return %c0_i32, %c0_i32_0 : i32, i32
  }
  func.func @transform_11(%arg0: i32) -> (i32, i32) {
    %c0_i32 = arith.constant 0 : i32
    %c0_i32_0 = arith.constant 0 : i32
    %c0_i32_1 = arith.constant 0 : i32
    return %c0_i32, %c0_i32_0 : i32, i32
  }
  func.func @transform_12(%arg0: i32) -> (i32, i32) {
    %c0_i32 = arith.constant 0 : i32
    %c0_i32_0 = arith.constant 0 : i32
    %c0_i32_1 = arith.constant 0 : i32
    return %c0_i32, %c0_i32_0 : i32, i32
  }
  func.func @transform_13(%arg0: i32) -> (i32, i32) {
    %c0_i32 = arith.constant 0 : i32
    %c0_i32_0 = arith.constant 0 : i32
    %c0_i32_1 = arith.constant 0 : i32
    return %c0_i32, %c0_i32_0 : i32, i32
  }
  func.func @transform_14(%arg0: i32) -> (i32, i32) {
    %c0_i32 = arith.constant 0 : i32
    %c0_i32_0 = arith.constant 0 : i32
    %c0_i32_1 = arith.constant 0 : i32
    return %c0_i32, %c0_i32_0 : i32, i32
  }
  func.func @transform_15(%arg0: i32) -> (i32, i32) {
    %c0_i32 = arith.constant 0 : i32
    %c0_i32_0 = arith.constant 0 : i32
    %c0_i32_1 = arith.constant 0 : i32
    return %c0_i32, %c0_i32_0 : i32, i32
  }
  func.func @transform_16(%arg0: i32) -> (i32, i32) {
    %c0_i32 = arith.constant 0 : i32
    %c0_i32_0 = arith.constant 0 : i32
    %c0_i32_1 = arith.constant 0 : i32
    return %c0_i32, %c0_i32_0 : i32, i32
  }
  func.func @transform_17(%arg0: i32) -> (i32, i32) {
    %c0_i32 = arith.constant 0 : i32
    %c0_i32_0 = arith.constant 0 : i32
    %c0_i32_1 = arith.constant 0 : i32
    return %c0_i32, %c0_i32_0 : i32, i32
  }
  func.func @transform_18(%arg0: i32) -> (i32, i32) {
    %c0_i32 = arith.constant 0 : i32
    %c0_i32_0 = arith.constant 0 : i32
    %c0_i32_1 = arith.constant 0 : i32
    return %c0_i32, %c0_i32_0 : i32, i32
  }
  func.func @transform_19(%arg0: i32) -> (i32, i32) {
    %c0_i32 = arith.constant 0 : i32
    %c0_i32_0 = arith.constant 0 : i32
    %c0_i32_1 = arith.constant 0 : i32
    return %c0_i32, %c0_i32_0 : i32, i32
  }
  func.func @transform_20(%arg0: i32) -> (i32, i32) {
    %c0_i32 = arith.constant 0 : i32
    %c0_i32_0 = arith.constant 0 : i32
    %c0_i32_1 = arith.constant 0 : i32
    return %c0_i32, %c0_i32_0 : i32, i32
  }
  func.func @transform_21(%arg0: i32) -> (i32, i32) {
    %c0_i32 = arith.constant 0 : i32
    %c0_i32_0 = arith.constant 0 : i32
    %c0_i32_1 = arith.constant 0 : i32
    return %c0_i32, %c0_i32_0 : i32, i32
  }
  func.func @transform_22(%arg0: i32) -> (i32, i32) {
    %c0_i32 = arith.constant 0 : i32
    %c0_i32_0 = arith.constant 0 : i32
    %c0_i32_1 = arith.constant 0 : i32
    return %c0_i32, %c0_i32_0 : i32, i32
  }
  func.func @transform_23(%arg0: i32) -> (i32, i32) {
    %c0_i32 = arith.constant 0 : i32
    %c0_i32_0 = arith.constant 0 : i32
    %c0_i32_1 = arith.constant 0 : i32
    return %c0_i32, %c0_i32_0 : i32, i32
  }
  func.func @transform_24(%arg0: i32) -> (i32, i32) {
    %c0_i32 = arith.constant 0 : i32
    %c0_i32_0 = arith.constant 0 : i32
    %c0_i32_1 = arith.constant 0 : i32
    return %c0_i32, %c0_i32_0 : i32, i32
  }
  func.func @transform_25(%arg0: i32) -> (i32, i32) {
    %c0_i32 = arith.constant 0 : i32
    %c0_i32_0 = arith.constant 0 : i32
    %c0_i32_1 = arith.constant 0 : i32
    return %c0_i32, %c0_i32_0 : i32, i32
  }
  func.func @transform_26(%arg0: i32) -> (i32, i32) {
    %c0_i32 = arith.constant 0 : i32
    %c0_i32_0 = arith.constant 0 : i32
    %c0_i32_1 = arith.constant 0 : i32
    return %c0_i32, %c0_i32_0 : i32, i32
  }
  func.func @transform_27(%arg0: i32) -> (i32, i32) {
    %c0_i32 = arith.constant 0 : i32
    %c0_i32_0 = arith.constant 0 : i32
    %c0_i32_1 = arith.constant 0 : i32
    return %c0_i32, %c0_i32_0 : i32, i32
  }
}

</mosaic_0001>

<sc_bundles>
// kernel: kernel.6.cloned.1.call-start
scs
__scs_entry_jumppad:
0x0: {  	(pc) =	sbr.rel $0x88, $3  }
0x1: {  	(tag) =	ssettag $0x0;
	lr =	simm.s32 $0x1  }
0x2: {  	[smem:$0x3F95] =	sst lr;
	_ =	strace $0xD0000000  }
0x3: {  	_ = 	snop  }
0x4: {  	_ = 	snop  }
0x5: {  	_ = 	snop  }
0x6: {  	_ = 	snop  }
0x7: {  	_ = 	snop  }
__scs_overlays_trampoline_lowered:
0x8: {  	[smem:$0x3FA4] =	sst s0  }
0x9: {  	[smem:$0x3FA5] =	sst s1  }
0xa: {  	[smem:$0x3FA6] =	sst s2  }
0xb: {  	[smem:$0x3FA7] =	sst s3  }
0xc: {  	[smem:$0x3FA8] =	sst s4  }
0xd: {  	[smem:$0x3FA9] =	sst s5  }
0xe: {  	[smem:$0x3FAA] =	sst s6  }
0xf: {  	[smem:$0x3FAB] =	sst s7  }
0x10: {  	[smem:$0x3FAC] =	sst s8  }
0x11: {  	[smem:$0x3FAD] =	sst s9;
	s0 =	simm.s32 @!p0 $0x0  }
0x12: {  	s1 =	sld [smem:$0x3F93];
	s0 =	simm.s32 @p0 $0x1  }
0x13: {  	[smem:$0x3FAE] =	sst s0;
	s0 =	simm.s32 @!p1 $0x0  }
0x14: {  	s2 =	sld [smem:$0x3F92];
	s0 =	simm.s32 @p1 $0x1  }
0x15: {  	[smem:$0x3FAF] =	sst s0;
	s0 =	simm.s32 @!p2 $0x0  }
0x16: {  	s3 =	sld [smem:$0x3FDB];
	s0 =	simm.s32 @p2 $0x1  }
0x17: {  	s4 =	simm.s32 $0x1BF5;
	[smem:$0x3FB1] =	sst s0  }
0x18: {  	s0 =	sld [smem:$0x3F94];
	_ =	swait.ge [sflag:s4], $0x0  }
0x19: {  	s7 =	sld [smem:$0x3F95]  }
0x1a: {  	s8 =	sadd.s32 $0xFFFFE003, lr  }
0x1b: {  	s9 =	sadd.s32 $0xFFFFFEF7, lr;
	s5 =	simm.s32 $0xFFFFFFFF;
	p2 =	slt.u32 s8, $0xFFFFF086  }
0x1c: {  	p1 =	slt.u32 s9, $0xF7A;
	s5 =	simm.s32 @!p2 $0x0  }
0x1d: {  	s5 =	simm.s32 @p1 $0x1;
	p0 =	seq.s32 s7, s2  }
0x1e: {  	s7 =	smul.u32 @!p0 $0xF7A, s2;
	p2 =	seq.s32 @!p0 s5, $0x0  }
0x1f: {  	s9 =	smul.u32 $0xF7A, s1;
	s8 =	simm.s32 @!p0 $0x1BF5;
	p2 =	por !p2, p0  }
0x20: {  	[sflag:s8] =	ssyncset.s32 @!p0 $0xFFFFF086;
	s6 =	sadd.s32 @!p0 s3, s7;
	s7 =	simm.s32 @!p0 $0x108  }
0x21: {  	s3 =	sadd.s32 s3, s9;
	s6 =	sadd.s32 @!p0 $0x88, s6;
	s7 =	simm.s32 @p2 $0x1082  }
0x22: {  	[simem:s7], [sflag:s8] =	dma.local @!p0 [hbm:s6], $0xF7A  }
0x23: {  	s9 =	sor.u32 $0xD0000000, s2;
	s6 =	simm.s32 $0x108;
	_ =	swait.ge @!p0 [sflag:s8], $0x0  }
0x24: {  	s3 =	sadd.s32 $0x88, s3;
	s6 =	simm.s32 @!p1 $0x1082;
	[sflag:s4] =	ssyncset.s32 $0xFFFFF086  }
0x25: {  	[simem:s6], [sflag:s4] =	dma.local [hbm:s3], $0xF7A  }
0x26: {  	[smem:$0x3F95] =	sst s1;
	(tag) =	ssettag s2;
	_ =	strace s9  }
0x27: {  	s1 =	sld [smem:$0x3FA5]  }
0x28: {  	s2 =	sld [smem:$0x3FA6]  }
0x29: {  	s4 =	sld [smem:$0x3FA8]  }
0x2a: {  	p0 =	seq.s32 s5, $0x0;
	s5 =	sld [smem:$0x3FA9]  }
0x2b: {  	s6 =	sld [smem:$0x3FAA]  }
0x2c: {  	s7 =	sld [smem:$0x3FAB]  }
0x2d: {  	s3 =	simm.s32 $0x108;
	s8 =	sld [smem:$0x3FAC]  }
0x2e: {  	s3 =	simm.s32 @!p0 $0x1082;
	s9 =	sld [smem:$0x3FAD]  }
0x2f: {  	lr =	sadd.s32 s0, s3;
	s0 =	sld [smem:$0x3FA4]  }
0x30: {  	s3 =	sld [smem:$0x3FA7]  }
0x31: {  	[smem:$0x3FB0] =	sst s10  }
0x32: {  	s10 =	sld [smem:$0x3FAE];
	_ =	sdelay $0x3  }
0x33: {  	p0 =	seq.s32 s10, $0x1;
	s10 =	sld [smem:$0x3FB0];
	_ =	sdelay $0x3  }
0x34: {  	[smem:$0x3FB0] =	sst s10  }
0x35: {  	s10 =	sld [smem:$0x3FAF];
	_ =	sdelay $0x3  }
0x36: {  	p1 =	seq.s32 s10, $0x1;
	s10 =	sld [smem:$0x3FB0];
	_ =	sdelay $0x3  }
0x37: {  	[smem:$0x3FB0] =	sst s10  }
0x38: {  	s10 =	sld [smem:$0x3FB1]  }
0x39: {  	_ = 	snop;
	(pc) =	sbr.ind lr, $3  }
0x3a: {  	_ = 	snop  }
0x3b: {  	_ = 	snop  }
0x3c: {  	p2 =	seq.s32 s10, $0x1;
	s10 =	sld [smem:$0x3FB0]  }
0x3d: {  	_ =	shalt  }
0x3e: {  	_ =	shalt  }
0x3f: {  	_ =	shalt  }
0x40: {  	_ =	shalt  }
0x41: {  	_ =	shalt  }
0x42: {  	_ =	shalt  }
0x43: {  	_ =	shalt  }
0x44: {  	_ =	shalt  }
0x45: {  	_ =	shalt  }
0x46: {  	_ =	shalt  }
0x47: {  	_ =	shalt  }
0x48: {  	_ =	shalt  }
0x49: {  	_ =	shalt  }
0x4a: {  	_ =	shalt  }
0x4b: {  	_ =	shalt  }
0x4c: {  	_ =	shalt  }
0x4d: {  	_ =	shalt  }
0x4e: {  	_ =	shalt  }
0x4f: {  	_ =	shalt  }
0x50: {  	_ =	shalt  }
0x51: {  	_ =	shalt  }
0x52: {  	_ =	shalt  }
0x53: {  	_ =	shalt  }
0x54: {  	_ =	shalt  }
0x55: {  	_ =	shalt  }
0x56: {  	_ =	shalt  }
0x57: {  	_ =	shalt  }
0x58: {  	_ =	shalt  }
0x59: {  	_ =	shalt  }
0x5a: {  	_ =	shalt  }
0x5b: {  	_ =	shalt  }
0x5c: {  	_ =	shalt  }
0x5d: {  	_ =	shalt  }
0x5e: {  	_ =	shalt  }
0x5f: {  	_ =	shalt  }
0x60: {  	_ =	shalt  }
0x61: {  	_ =	shalt  }
0x62: {  	_ =	shalt  }
0x63: {  	_ =	shalt  }
0x64: {  	_ =	shalt  }
0x65: {  	_ =	shalt  }
0x66: {  	_ =	shalt  }
0x67: {  	_ =	shalt  }
0x68: {  	_ =	shalt  }
0x69: {  	_ =	shalt  }
0x6a: {  	_ =	shalt  }
0x6b: {  	_ =	shalt  }
0x6c: {  	_ =	shalt  }
0x6d: {  	_ =	shalt  }
0x6e: {  	_ =	shalt  }
0x6f: {  	_ =	shalt  }
0x70: {  	_ =	shalt  }
0x71: {  	_ =	shalt  }
0x72: {  	_ =	shalt  }
0x73: {  	_ =	shalt  }
0x74: {  	_ =	shalt  }
0x75: {  	_ =	shalt  }
0x76: {  	_ =	shalt  }
0x77: {  	_ =	shalt  }
0x78: {  	_ =	shalt  }
0x79: {  	_ =	shalt  }
0x7a: {  	_ =	shalt  }
0x7b: {  	_ =	shalt  }
0x7c: {  	_ =	shalt  }
0x7d: {  	_ =	shalt  }
0x7e: {  	_ =	shalt  }
0x7f: {  	_ =	shalt  }
0x80: {  	_ =	shalt  }
0x81: {  	_ =	shalt  }
0x82: {  	_ =	shalt  }
0x83: {  	_ =	shalt  }
0x84: {  	_ =	shalt  }
0x85: {  	_ =	shalt  }
0x86: {  	_ =	shalt  }
0x87: {  	_ =	shalt  }
.Lfunc_end0:
.L_simem_size_0:
called_computation_lowered:
.L_overlay_start_0:
0x88: {  	s2 =	sld [smem:$0x3FD9]  }
0x89: {  	s3 =	sld [smem:$0x3FFE];
	_ =	sdelay $0x1  }
0x8a: {  	s1 =	srdreg.scid  }
0x8b: {  	s0 =	sand.u32 $0x1, s1  }
0x8c: {  	s16 =	sshll.u32 s0, $0xA;
	s2 =	sadd.s32 s3, s2  }
0x8d: {  	s2 =	sadd.s32 s2, s16  }
0x8e: {  	[smem:$0x3FBC] =	sst s2  }
0x8f: {  	_ = 	snop  }
0x90: {  	(tm) =	ssettm $0x1  }
0x91: {  	s17 =	sld [smem:$0x3FFB];
	_ =	sdelay $0x3  }
0x92: {  	_ =	strace s17  }
0x93: {  	s2 =	sld [smem:$0x3FFC];
	_ =	sdelay $0x3  }
0x94: {  	_ =	strace s2  }
0x95: {  	s2 =	sld [smem:$0x3FFD];
	_ =	sdelay $0x3  }
0x96: {  	_ =	strace s2  }
0x97: {  	_ =	strace $0x8FFFFFFF  }
0x98: {  	s18 =	sld [smem:$0x3FDB];
	_ =	sdelay $0x1  }
0x99: {  	s19 =	simm.s32 $_scs_section_size  }
0x9a: {  	s4 =	simm.s32 $_size__tile_overlayer_lowered;
	s5 =	simm.s32 $_tile_overlayer_lowered  }
0x9b: {  	s22 =	simm.s32 $0x1BFF;
	s21 =	sshll.u32 s5, $0x1;
	s2 =	sadd.s32 s19, s18  }
0x9c: {  	s6 =	simm.s32 $0x0;
	s20 =	sshll.u32 s4, $0x1;
	s4 =	sadd.s32 s21, s2  }
0x9d: {  	[timem:s6], [sflag:s22] =	dma.local [hbm:s4], s20  }
0x9e: {  	_ =	swait.ge [sflag:s22], s20  }
0x9f: {  	s3 =	ssub.s32 $0x0, s20;
	[sflag:s22] =	ssyncset.done $0x0  }
0xa0: {  	[sflag:s22] =	ssyncadd.s32 s3;
	_ =	sdelay $0x1  }
0xa1: {  	s23 =	simm.s32 $0x1B8B  }
0xa2: {  	_ =	swait.ge [sflag:s23], $0x1  }
0xa3: {  	[sflag:s23] =	ssyncset.done $0x0  }
0xa4: {  	s25 =	simm.s32 $0x1B8E;
	s24 =	sld [smem:$0x3FFE];
	[sflag:s23] =	ssyncadd.s32 $0xFFFFFFFF  }
0xa5: {  	s26 =	simm.s32 $execute0_lowered;
	[smem:$0x3FD2] =	sst s25  }
0xa6: {  	s4 =	sshll.u32 s26, $0x1;
	_ =	strace $0x80000046;
	[dreg:$0x1] =	wrdreg $0xFFFFFFFF  }
0xa7: {  	s28 =	simm.s32 $_size_execute0_lowered;
	s2 =	sadd.s32 s2, s4;
	[dreg:$0x0] =	wrdreg $0x0  }
0xa8: {  	s4 =	sshll.u32 s28, $0x1;
	[dreg:$0x2] =	wrdreg s2  }
0xa9: {  	[dreg:$0x3] =	wrdreg s4  }
0xaa: {  	[dreg:$0x4] =	wrdreg $0xC0  }
0xab: {  	_ =	task [dreg:s6], $0x5FFFF  }
0xac: {  	[dreg:$0x1] =	wrdreg $0xFFFFFFFF  }
0xad: {  	[dreg:$0x0] =	wrdreg $0x60  }
0xae: {  	[dreg:$0x2] =	wrdreg s24  }
0xaf: {  	[dreg:$0x3] =	wrdreg $0x54100  }
0xb0: {  	[dreg:$0x4] =	wrdreg $0x9  }
0xb1: {  	_ =	task.clear_ibuf [dreg:s6], $0x5FFFF;
	_ =	strace $0x90000046  }
0xb2: {  	s29 =	simm.s32 $0x9;
	_ =	strace $0x80000048  }
0xb3: {  	_ =	swait.ge [sflag:s29], $0x1  }
0xb4: {  	[sflag:s29] =	ssyncadd.s32 $0xFFFFFFFF  }
0xb5: {  	_ =	strace $0x90000048  }
0xb6: {  	_ =	sfence  }
0xb7: {  	s30 =	sld [smem:$0x0];
	_ =	sdelay $0x2  }
0xb8: {  	s31 =	sshll.u32 s1, $0xD;
	s1 =	sshrl.u32 s1, $0x2  }
0xb9: {  	s3 =	sand.u32 $0x4000, s31;
	s1 =	sadd.s32 s1, s30  }
0xba: {  	s0 =	sor.u32 s3, s0;
	s1 =	sshll.u32 s1, $0x11  }
0xbb: {  	s0 =	sor.u32 s1, s0  }
0xbc: {  	s0 =	sadd.s32 $0x8F2B, s0  }
0xbd: {  	[sflag:s0] =	ssyncadd.remote.s32 $0x1  }
0xbe: {  	_ =	sfence.sel $0xFFFF  }
0xbf: {  	[dreg:$0x0] =	wrdreg $0xFFFFFFFF;
	(pc) =	sbr.abs _section_cstart, $3  }
0xc0: {  	[dreg:$0x1] =	wrdreg $0xFFFFFFFF  }
0xc1: {  	_ =	task.clear_ibuf [dreg:s6], $0x2FFFF;
	_ =	strace $0x9FFFFFFF  }
0xc2: {  	(tm) =	ssettm $0x7FFFFFFF  }
0xc3: {  	_ =	shalt  }
tec
execute0_lowered:
.L_overlay_start_1:
0x0: {  	(tag) =	ssettag $0x1  }
0x1: {  	s1 =	srdreg.scid;
	s4 =	rddreg [dreg:$0x0]  }
0x2: {  	s0 =	stileid.u32;
	s2 =	rddreg [dreg:$0x1];
	s3 =	simm.s32 $0x0  }
0x3: {  	s10 =	simm.s32 $0x50;
	s5 =	sand.u32 $0x1, s1;
	s1 =	rddreg [dreg:$0x2]  }
0x4: {  	s11 =	simm.s32 $0x2710;
	s6 =	smul.u32 $0x2800, s0;
	[smem:$0x7FF] =	sst s3  }
0x5: {  	s12 =	sshll.u32 s0, $0x6;
	s7 =	sshll.u32 s5, $0x4;
	s8 =	smul.u32 $0x28000, s5  }
0x6: {  	_ =	strace $0x80000047;
	s5 =	ssub.s32 $0x2, s5;
	s7 =	sor.u32 s0, s7  }
0x7: {  	s31 =	sshrl.u32 s5, $0x1;
	s7 =	smul.u32 $0x4E2, s7;
	s8 =	sadd.s32 s6, s8  }
0x8: {  	s12 =	sor.u32 $0x1C01, s12;
	s9 =	ssub.s32 s5, s31;
	s8 =	sshrl.u32 s8, $0x3  }
0x9: {  	s7 =	sadd.s32 s7, s4;
	s8 =	sadd.s32 s8, s4;
	s4 =	sadd.s32 s6, s2  }
0xa: {  	s5 =	sadd.s32 $0x2800, s7;
	s6 =	sadd.s32 $0xC600, s8;
	s7 =	smax.u32 s9, $0x1  }
0xb: {  	v0 =	vimm.f32 $1.000000000e+00;
	v1 =	vimm.f32 $0.0e+00;
	s8 =	simm.s32 $0x2C10;
	s9 =	simm.s32 $0x1;
	s13 =	sshrl.u32 s4, $0x3  }
.LBB2_1:
0xc: {  	s14 =	simm.s32 $0x0  }
.LBB2_2:
0xd: {  	p0 =	sne.s32 s14, $0x13C0  }
.Ltmp0:
0xe: {  	_ = 	snop;
	(pc) =	sbr.rel @p0 .LBB2_2-.Ltmp0, $3  }
0xf: {  	_ =	sdelay $0x1  }
0x10: {  	s15 =	sshra.s32 s14, $0x2  }
0x11: {  	s14 =	sadd.s32 $0x40, s14;
	[tilespmem:s15+$0x2710] =	vst v0  }
0x12: {  	s14 =	simm.s32 $0x40;
	s15 =	simm.s32 $0x0  }
.LBB2_4:
0x13: {  	p0 =	sne.s32 s14, $0x9FC0;
	[tilespmem:s15+$0x2C10] =	vst v1;
	s15 =	smov.u32 s14;
	s14 =	sadd.s32 $0x40, s14  }
.Ltmp1:
0x14: {  	(pc) =	sbr.rel @p0 .LBB2_4-.Ltmp1, $2  }
0x15: {  	_ =	sdelay $0x2  }
0x16: {  	s15 =	sshra.s32 s15, $0x2  }
0x17: {  	[tilespmem:s15+$0x2C10] =	vst v1  }
0x18: {  	[spmem:s4] =	stream.linear.scatter [tilespmem:s8], [sflag:$0x1], $0x2800, $0x38;
	[tilespmem:$0x7C10] =	vst v63  }
0x19: {  	_ =	swait.ge [sflag:s9], $0x2800  }
0x1a: {  	[sflag:s9] =	ssyncset.done $0x0  }
0x1b: {  	s14 =	simm.s32 $0x0;
	[sflag:s9] =	ssyncadd.s32 $0xFFFFD800  }
0x1c: {  	[tilespmem:s14], [sflag:$0x1] =	stream.linear.gather [hbm4b:s5+s14], $0x2710, $0x38;
	[tilespmem:$0x7C10] =	vst v63  }
0x1d: {  	_ =	swait.ge [sflag:s9], $0x2710  }
0x1e: {  	[sflag:s9] =	ssyncset.done $0x0  }
0x1f: {  	[sflag:s9] =	ssyncadd.s32 $0xFFFFD8F0  }
0x20: {  	s31 =	simm.s32 $0x0;
	[bflag:$0x0] =	sbarrier.arrive $0xFFFF  }
0x21: {  	[spmem:s2] =	stream.indirect.scatter.add.f32 [tilespmem:s11], [sflag:$0x1], $0x10, s31, s10, $0xb8;
	[tilespmem:$0x7C10] =	vst v63  }
0x22: {  	_ =	swait.ge [sflag:s9], $0x500  }
0x23: {  	s14 =	simm.s32 $0x140;
	[sflag:s9] =	ssyncset.done $0x0  }
.LBB2_6:
0x24: {  	s15 =	sshra.s32 s14, $0x2;
	[sflag:s9] =	ssyncadd.s32 $0xFFFFFB00;
	p0 =	sne.s32 s14, $0x9B00  }
0x25: {  	[spmem:s2] =	stream.indirect.scatter.add.f32 [tilespmem:s11], [sflag:$0x1], $0x10, s15, s10, $0xb8;
	[tilespmem:$0x7C10] =	vst v63  }
.Ltmp2:
0x26: {  	_ = 	snop;
	(pc) =	sbr.rel @p0 .LBB2_6-.Ltmp2, $4  }
0x27: {  	_ = 	snop  }
0x28: {  	s14 =	sadd.s32 $0x140, s14  }
0x29: {  	_ =	swait.ge [sflag:s9], $0x500  }
0x2a: {  	[sflag:s9] =	ssyncset.done $0x0  }
0x2b: {  	s3 =	sadd.s32 $0x1, s3  }
0x2c: {  	[sflag:s9] =	ssyncadd.s32 $0xFFFFFB00;
	p0 =	sne.s32 s3, s7  }
.Ltmp3:
0x2d: {  	[bflag:$0x0] =	sbarrier.arrive $0xFFFF;
	(pc) =	sbr.rel @p0 .LBB2_1-.Ltmp3, $4  }
0x2e: {  	[hbm:s6], [sflag:s12] =	dma.local [spmem:s13], $0x500  }
0x2f: {  	_ =	swait.ge [sflag:s9], $0x500  }
0x30: {  	[sflag:s9] =	ssyncset.done $0x0  }
0x31: {  	[sflag:s9] =	ssyncadd.s32 $0xFFFFFB00  }
0x32: {  	_ =	sfence.sel $0x180000  }
0x33: {  	[bflag:$0x0] =	sbarrier.arrive $0xFFFF  }
0x34: {  	p0 =	sne.s32 s0, $0x0;
	_ =	strace $0x90000047  }
0x35: {  	s0 =	sadd.s32 @!p0 $0x100000, s1;
	[bflag:$0x2] =	sbarrier.arrive $0xFFFF  }
0x36: {  	[sflag:s0] =	ssyncadd.tile.s32 @!p0 $0x1;
	_ =	shalt  }
.Lfunc_end2:
_tile_overlayer_lowered:
.L_overlay_start_2:
0x37: {  	(tag) =	ssettag $0x2  }
0x38: {  	s0 =	rddreg [dreg:$0x0];
	s2 =	stileid.u32  }
0x39: {  	s1 =	rddreg [dreg:$0x1];
	p0 =	sne.s32 s2, $0x0  }
0x3a: {  	s3 =	rddreg [dreg:$0x2];
	[bflag:$0x3] =	sbarrier.arrive $0xFFFF;
	s2 =	simm.s32 @!p0 $0x1C01  }
0x3b: {  	[timem:s3], [sflag:s2] =	dma.local @!p0 [hbm:s0], s1  }
0x3c: {  	s0 =	simm.s32 @!p0 $0x1  }
0x3d: {  	_ =	swait.ge @!p0 [sflag:s0], s1  }
0x3e: {  	s1 =	ssub.s32 @!p0 $0x0, s1;
	[sflag:s0] =	ssyncset.done @!p0 $0x0  }
0x3f: {  	[sflag:s0] =	ssyncadd.s32 @!p0 s1  }
0x40: {  	[bflag:$0x3] =	sbarrier.arrive $0xFFFF  }
0x41: {  	_ =	shalt  }

// kernel: kernel.9.cloned.1.call-start
scs
__scs_entry_jumppad:
0x0: {  	(pc) =	sbr.rel $0x88, $3  }
0x1: {  	(tag) =	ssettag $0x0;
	lr =	simm.s32 $0x1  }
0x2: {  	[smem:$0x3F95] =	sst lr;
	_ =	strace $0xD0000000  }
0x3: {  	_ = 	snop  }
0x4: {  	_ = 	snop  }
0x5: {  	_ = 	snop  }
0x6: {  	_ = 	snop  }
0x7: {  	_ = 	snop  }
__scs_overlays_trampoline_lowered:
0x8: {  	[smem:$0x3FA4] =	sst s0  }
0x9: {  	[smem:$0x3FA5] =	sst s1  }
0xa: {  	[smem:$0x3FA6] =	sst s2  }
0xb: {  	[smem:$0x3FA7] =	sst s3  }
0xc: {  	[smem:$0x3FA8] =	sst s4  }
0xd: {  	[smem:$0x3FA9] =	sst s5  }
0xe: {  	[smem:$0x3FAA] =	sst s6  }
0xf: {  	[smem:$0x3FAB] =	sst s7  }
0x10: {  	[smem:$0x3FAC] =	sst s8  }
0x11: {  	[smem:$0x3FAD] =	sst s9;
	s0 =	simm.s32 @!p0 $0x0  }
0x12: {  	s1 =	sld [smem:$0x3F93];
	s0 =	simm.s32 @p0 $0x1  }
0x13: {  	[smem:$0x3FAE] =	sst s0;
	s0 =	simm.s32 @!p1 $0x0  }
0x14: {  	s2 =	sld [smem:$0x3F92];
	s0 =	simm.s32 @p1 $0x1  }
0x15: {  	[smem:$0x3FAF] =	sst s0;
	s0 =	simm.s32 @!p2 $0x0  }
0x16: {  	s3 =	sld [smem:$0x3FDB];
	s0 =	simm.s32 @p2 $0x1  }
0x17: {  	s4 =	simm.s32 $0x1BF5;
	[smem:$0x3FB1] =	sst s0  }
0x18: {  	s0 =	sld [smem:$0x3F94];
	_ =	swait.ge [sflag:s4], $0x0  }
0x19: {  	s7 =	sld [smem:$0x3F95]  }
0x1a: {  	s8 =	sadd.s32 $0xFFFFE003, lr  }
0x1b: {  	s9 =	sadd.s32 $0xFFFFFEF7, lr;
	s5 =	simm.s32 $0xFFFFFFFF;
	p2 =	slt.u32 s8, $0xFFFFF086  }
0x1c: {  	p1 =	slt.u32 s9, $0xF7A;
	s5 =	simm.s32 @!p2 $0x0  }
0x1d: {  	s5 =	simm.s32 @p1 $0x1;
	p0 =	seq.s32 s7, s2  }
0x1e: {  	s7 =	smul.u32 @!p0 $0xF7A, s2;
	p2 =	seq.s32 @!p0 s5, $0x0  }
0x1f: {  	s9 =	smul.u32 $0xF7A, s1;
	s8 =	simm.s32 @!p0 $0x1BF5;
	p2 =	por !p2, p0  }
0x20: {  	[sflag:s8] =	ssyncset.s32 @!p0 $0xFFFFF086;
	s6 =	sadd.s32 @!p0 s3, s7;
	s7 =	simm.s32 @!p0 $0x108  }
0x21: {  	s3 =	sadd.s32 s3, s9;
	s6 =	sadd.s32 @!p0 $0x88, s6;
	s7 =	simm.s32 @p2 $0x1082  }
0x22: {  	[simem:s7], [sflag:s8] =	dma.local @!p0 [hbm:s6], $0xF7A  }
0x23: {  	s9 =	sor.u32 $0xD0000000, s2;
	s6 =	simm.s32 $0x108;
	_ =	swait.ge @!p0 [sflag:s8], $0x0  }
0x24: {  	s3 =	sadd.s32 $0x88, s3;
	s6 =	simm.s32 @!p1 $0x1082;
	[sflag:s4] =	ssyncset.s32 $0xFFFFF086  }
0x25: {  	[simem:s6], [sflag:s4] =	dma.local [hbm:s3], $0xF7A  }
0x26: {  	[smem:$0x3F95] =	sst s1;
	(tag) =	ssettag s2;
	_ =	strace s9  }
0x27: {  	s1 =	sld [smem:$0x3FA5]  }
0x28: {  	s2 =	sld [smem:$0x3FA6]  }
0x29: {  	s4 =	sld [smem:$0x3FA8]  }
0x2a: {  	p0 =	seq.s32 s5, $0x0;
	s5 =	sld [smem:$0x3FA9]  }
0x2b: {  	s6 =	sld [smem:$0x3FAA]  }
0x2c: {  	s7 =	sld [smem:$0x3FAB]  }
0x2d: {  	s3 =	simm.s32 $0x108;
	s8 =	sld [smem:$0x3FAC]  }
0x2e: {  	s3 =	simm.s32 @!p0 $0x1082;
	s9 =	sld [smem:$0x3FAD]  }
0x2f: {  	lr =	sadd.s32 s0, s3;
	s0 =	sld [smem:$0x3FA4]  }
0x30: {  	s3 =	sld [smem:$0x3FA7]  }
0x31: {  	[smem:$0x3FB0] =	sst s10  }
0x32: {  	s10 =	sld [smem:$0x3FAE];
	_ =	sdelay $0x3  }
0x33: {  	p0 =	seq.s32 s10, $0x1;
	s10 =	sld [smem:$0x3FB0];
	_ =	sdelay $0x3  }
0x34: {  	[smem:$0x3FB0] =	sst s10  }
0x35: {  	s10 =	sld [smem:$0x3FAF];
	_ =	sdelay $0x3  }
0x36: {  	p1 =	seq.s32 s10, $0x1;
	s10 =	sld [smem:$0x3FB0];
	_ =	sdelay $0x3  }
0x37: {  	[smem:$0x3FB0] =	sst s10  }
0x38: {  	s10 =	sld [smem:$0x3FB1]  }
0x39: {  	_ = 	snop;
	(pc) =	sbr.ind lr, $3  }
0x3a: {  	_ = 	snop  }
0x3b: {  	_ = 	snop  }
0x3c: {  	p2 =	seq.s32 s10, $0x1;
	s10 =	sld [smem:$0x3FB0]  }
0x3d: {  	_ =	shalt  }
0x3e: {  	_ =	shalt  }
0x3f: {  	_ =	shalt  }
0x40: {  	_ =	shalt  }
0x41: {  	_ =	shalt  }
0x42: {  	_ =	shalt  }
0x43: {  	_ =	shalt  }
0x44: {  	_ =	shalt  }
0x45: {  	_ =	shalt  }
0x46: {  	_ =	shalt  }
0x47: {  	_ =	shalt  }
0x48: {  	_ =	shalt  }
0x49: {  	_ =	shalt  }
0x4a: {  	_ =	shalt  }
0x4b: {  	_ =	shalt  }
0x4c: {  	_ =	shalt  }
0x4d: {  	_ =	shalt  }
0x4e: {  	_ =	shalt  }
0x4f: {  	_ =	shalt  }
0x50: {  	_ =	shalt  }
0x51: {  	_ =	shalt  }
0x52: {  	_ =	shalt  }
0x53: {  	_ =	shalt  }
0x54: {  	_ =	shalt  }
0x55: {  	_ =	shalt  }
0x56: {  	_ =	shalt  }
0x57: {  	_ =	shalt  }
0x58: {  	_ =	shalt  }
0x59: {  	_ =	shalt  }
0x5a: {  	_ =	shalt  }
0x5b: {  	_ =	shalt  }
0x5c: {  	_ =	shalt  }
0x5d: {  	_ =	shalt  }
0x5e: {  	_ =	shalt  }
0x5f: {  	_ =	shalt  }
0x60: {  	_ =	shalt  }
0x61: {  	_ =	shalt  }
0x62: {  	_ =	shalt  }
0x63: {  	_ =	shalt  }
0x64: {  	_ =	shalt  }
0x65: {  	_ =	shalt  }
0x66: {  	_ =	shalt  }
0x67: {  	_ =	shalt  }
0x68: {  	_ =	shalt  }
0x69: {  	_ =	shalt  }
0x6a: {  	_ =	shalt  }
0x6b: {  	_ =	shalt  }
0x6c: {  	_ =	shalt  }
0x6d: {  	_ =	shalt  }
0x6e: {  	_ =	shalt  }
0x6f: {  	_ =	shalt  }
0x70: {  	_ =	shalt  }
0x71: {  	_ =	shalt  }
0x72: {  	_ =	shalt  }
0x73: {  	_ =	shalt  }
0x74: {  	_ =	shalt  }
0x75: {  	_ =	shalt  }
0x76: {  	_ =	shalt  }
0x77: {  	_ =	shalt  }
0x78: {  	_ =	shalt  }
0x79: {  	_ =	shalt  }
0x7a: {  	_ =	shalt  }
0x7b: {  	_ =	shalt  }
0x7c: {  	_ =	shalt  }
0x7d: {  	_ =	shalt  }
0x7e: {  	_ =	shalt  }
0x7f: {  	_ =	shalt  }
0x80: {  	_ =	shalt  }
0x81: {  	_ =	shalt  }
0x82: {  	_ =	shalt  }
0x83: {  	_ =	shalt  }
0x84: {  	_ =	shalt  }
0x85: {  	_ =	shalt  }
0x86: {  	_ =	shalt  }
0x87: {  	_ =	shalt  }
.Lfunc_end0:
.L_simem_size_0:
called_computation.1_lowered:
.L_overlay_start_0:
0x88: {  	s2 =	sld [smem:$0x3FD9]  }
0x89: {  	s3 =	sld [smem:$0x3FFE];
	_ =	sdelay $0x1  }
0x8a: {  	s1 =	srdreg.scid  }
0x8b: {  	s0 =	sand.u32 $0x1, s1  }
0x8c: {  	s16 =	sshll.u32 s0, $0xA;
	s2 =	sadd.s32 s3, s2  }
0x8d: {  	s2 =	sadd.s32 s2, s16  }
0x8e: {  	[smem:$0x3FBC] =	sst s2  }
0x8f: {  	_ = 	snop  }
0x90: {  	(tm) =	ssettm $0x1  }
0x91: {  	s17 =	sld [smem:$0x3FFB];
	_ =	sdelay $0x3  }
0x92: {  	_ =	strace s17  }
0x93: {  	s2 =	sld [smem:$0x3FFC];
	_ =	sdelay $0x3  }
0x94: {  	_ =	strace s2  }
0x95: {  	s2 =	sld [smem:$0x3FFD];
	_ =	sdelay $0x3  }
0x96: {  	_ =	strace s2  }
0x97: {  	_ =	strace $0x8FFFFFFF  }
0x98: {  	s18 =	sld [smem:$0x3FDB];
	_ =	sdelay $0x1  }
0x99: {  	s19 =	simm.s32 $_scs_section_size  }
0x9a: {  	s4 =	simm.s32 $_size__tile_overlayer_lowered;
	s5 =	simm.s32 $_tile_overlayer_lowered  }
0x9b: {  	s22 =	simm.s32 $0x1BFF;
	s21 =	sshll.u32 s5, $0x1;
	s2 =	sadd.s32 s19, s18  }
0x9c: {  	s6 =	simm.s32 $0x0;
	s20 =	sshll.u32 s4, $0x1;
	s4 =	sadd.s32 s21, s2  }
0x9d: {  	[timem:s6], [sflag:s22] =	dma.local [hbm:s4], s20  }
0x9e: {  	_ =	swait.ge [sflag:s22], s20  }
0x9f: {  	s3 =	ssub.s32 $0x0, s20;
	[sflag:s22] =	ssyncset.done $0x0  }
0xa0: {  	[sflag:s22] =	ssyncadd.s32 s3;
	_ =	sdelay $0x1  }
0xa1: {  	s23 =	simm.s32 $0x1B8B  }
0xa2: {  	_ =	swait.ge [sflag:s23], $0x1  }
0xa3: {  	[sflag:s23] =	ssyncset.done $0x0  }
0xa4: {  	s25 =	simm.s32 $0x1B8E;
	s24 =	sld [smem:$0x3FFE];
	[sflag:s23] =	ssyncadd.s32 $0xFFFFFFFF  }
0xa5: {  	s26 =	simm.s32 $execute0_lowered;
	[smem:$0x3FD2] =	sst s25  }
0xa6: {  	s4 =	sshll.u32 s26, $0x1;
	_ =	strace $0x80000049;
	[dreg:$0x1] =	wrdreg $0xFFFFFFFF  }
0xa7: {  	s28 =	simm.s32 $_size_execute0_lowered;
	s2 =	sadd.s32 s2, s4;
	[dreg:$0x0] =	wrdreg $0x0  }
0xa8: {  	s4 =	sshll.u32 s28, $0x1;
	[dreg:$0x2] =	wrdreg s2  }
0xa9: {  	[dreg:$0x3] =	wrdreg s4  }
0xaa: {  	[dreg:$0x4] =	wrdreg $0xC0  }
0xab: {  	_ =	task [dreg:s6], $0x5FFFF  }
0xac: {  	[dreg:$0x1] =	wrdreg $0xFFFFFFFF  }
0xad: {  	[dreg:$0x0] =	wrdreg $0x60  }
0xae: {  	[dreg:$0x2] =	wrdreg s24  }
0xaf: {  	[dreg:$0x3] =	wrdreg $0x11D000  }
0xb0: {  	[dreg:$0x4] =	wrdreg $0x9  }
0xb1: {  	_ =	task.clear_ibuf [dreg:s6], $0x5FFFF;
	_ =	strace $0x90000049  }
0xb2: {  	s29 =	simm.s32 $0x9;
	_ =	strace $0x8000004B  }
0xb3: {  	_ =	swait.ge [sflag:s29], $0x1  }
0xb4: {  	[sflag:s29] =	ssyncadd.s32 $0xFFFFFFFF  }
0xb5: {  	_ =	strace $0x9000004B  }
0xb6: {  	_ =	sfence  }
0xb7: {  	s30 =	sld [smem:$0x0];
	_ =	sdelay $0x2  }
0xb8: {  	s31 =	sshll.u32 s1, $0xD;
	s1 =	sshrl.u32 s1, $0x2  }
0xb9: {  	s3 =	sand.u32 $0x4000, s31;
	s1 =	sadd.s32 s1, s30  }
0xba: {  	s0 =	sor.u32 s3, s0;
	s1 =	sshll.u32 s1, $0x11  }
0xbb: {  	s0 =	sor.u32 s1, s0  }
0xbc: {  	s0 =	sadd.s32 $0x8F2B, s0  }
0xbd: {  	[sflag:s0] =	ssyncadd.remote.s32 $0x1  }
0xbe: {  	_ =	sfence.sel $0xFFFF  }
0xbf: {  	[dreg:$0x0] =	wrdreg $0xFFFFFFFF;
	(pc) =	sbr.abs _section_cstart, $3  }
0xc0: {  	[dreg:$0x1] =	wrdreg $0xFFFFFFFF  }
0xc1: {  	_ =	task.clear_ibuf [dreg:s6], $0x2FFFF;
	_ =	strace $0x9FFFFFFF  }
0xc2: {  	(tm) =	ssettm $0x7FFFFFFF  }
0xc3: {  	_ =	shalt  }
tec
execute0_lowered:
.L_overlay_start_1:
0x0: {  	(tag) =	ssettag $0x1  }
0x1: {  	s0 =	rddreg [dreg:$0x0]  }
0x2: {  	s2 =	rddreg [dreg:$0x1]  }
0x3: {  	s3 =	simm.s32 $0x0;
	s12 =	stileid.u32;
	s5 =	srdreg.scid  }
0x4: {  	s13 =	simm.s32 $0x5000;
	s16 =	simm.s32 $0x7D;
	s17 =	simm.s32 $0xA000  }
0x5: {  	s19 =	simm.s32 $0xBF40;
	s21 =	simm.s32 $0xDE80;
	s28 =	simm.s32 $0x5  }
0x6: {  	s30 =	simm.s32 $0x3;
	s18 =	simm.s32 $0x0;
	s1 =	smul.u32 $0xA000, s12  }
0x7: {  	[smem:$0x7FF] =	sst s3;
	s4 =	smul.u32 $0xA00, s12;
	s8 =	sadd.s32 $0xCA600, s0  }
0x8: {  	s5 =	sand.u32 $0x1, s5;
	s31 =	sshll.u32 s12, $0x6;
	s12 =	simm.s32 $0x9  }
0x9: {  	_ =	strace $0x8000004A;
	s7 =	ssub.s32 $0x2, s5;
	s5 =	smul.u32 $0x140000, s5  }
0xa: {  	s14 =	sor.u32 $0x1C09, s31;
	s6 =	sshrl.u32 s1, $0x3;
	s4 =	sadd.s32 s4, s0  }
0xb: {  	s9 =	sshrl.u32 s7, $0x1;
	s23 =	sadd.s32 s1, s2;
	s6 =	sadd.s32 s6, s0  }
0xc: {  	s0 =	sadd.s32 $0x12E600, s0;
	s10 =	ssub.s32 s7, s9;
	s22 =	sadd.s32 $0x16600, s4  }
0xd: {  	s4 =	sadd.s32 $0x20600, s4;
	s24 =	sshrl.u32 s5, $0x3;
	s25 =	sadd.s32 s1, s5  }
0xe: {  	s5 =	sadd.s32 $0xA0000, s5;
	s15 =	sshrl.u32 s23, $0x3;
	[dreg:$0x3] =	wrdreg s22  }
0xf: {  	[dreg:$0x4] =	wrdreg s4;
	s6 =	sadd.s32 $0x11A600, s6;
	s7 =	sadd.s32 s8, s24  }
0x10: {  	s9 =	sshrl.u32 s25, $0x3;
	s11 =	sshrl.u32 s5, $0x3;
	s1 =	sadd.s32 s1, s5  }
0x11: {  	s29 =	smax.u32 s10, $0x1;
	s22 =	simm.s32 $0x1;
	s24 =	simm.s32 $0xFDC0  }
.Ltmp0:
0x12: {  	s25 =	simm.s32 $0x2;
	s4 =	simm.s32 $0x4;
	(pc) =	sbr.rel .LBB2_1-.Ltmp0, $4  }
0x13: {  	s5 =	simm.s32 $0x5180;
	s10 =	simm.s32 $0x300;
	s26 =	sadd.s32 s0, s9  }
0x14: {  	s9 =	sadd.s32 s8, s11;
	s1 =	sshrl.u32 s1, $0x3;
	[dreg:$0x7] =	wrdreg s29  }
0x15: {  	s8 =	simm.s32 $0x7;
	[dreg:$0x5] =	wrdreg s26;
	s0 =	sadd.s32 s0, s1  }
0x16: {  	s11 =	simm.s32 $0x8;
	[dreg:$0x6] =	wrdreg s0;
	s0 =	simm.s32 $0x6  }
.LBB2_7:
0x17: {  	_ =	swait.ge [sflag:s28], $0x1F40  }
0x18: {  	[sflag:s28] =	ssyncset.done $0x0  }
0x19: {  	[sflag:s28] =	ssyncadd.s32 $0xFFFFE0C0  }
0x1a: {  	_ =	swait.ge [sflag:s0], $0x1F40  }
0x1b: {  	[sflag:s0] =	ssyncset.done $0x0  }
0x1c: {  	[sflag:s0] =	ssyncadd.s32 $0xFFFFE0C0  }
0x1d: {  	_ =	swait.ge [sflag:s8], $0x1F40  }
0x1e: {  	[sflag:s8] =	ssyncset.done $0x0  }
0x1f: {  	[sflag:s8] =	ssyncadd.s32 $0xFFFFE0C0  }
0x20: {  	_ =	swait.ge [sflag:s11], $0x1F40  }
0x21: {  	[sflag:s11] =	ssyncset.done $0x0  }
0x22: {  	[sflag:s11] =	ssyncadd.s32 $0xFFFFE0C0  }
0x23: {  	[bflag:$0x0] =	sbarrier.arrive $0xFFFF  }
0x24: {  	s1 =	rddreg [dreg:$0x6]  }
0x25: {  	[hbm:s1], [sflag:s14] =	dma.local [spmem:s15], $0x1400  }
0x26: {  	_ =	swait.ge [sflag:s12], $0x1400  }
0x27: {  	s18 =	sadd.s32 $0x1, s18;
	s31 =	rddreg [dreg:$0x7]  }
0x28: {  	p0 =	sne.s32 s18, s31  }
.Ltmp1:
0x29: {  	_ = 	snop;
	(pc) =	sbr.rel @!p0 .LBB2_8-.Ltmp1, $3  }
0x2a: {  	[sflag:s12] =	ssyncset.done $0x0  }
0x2b: {  	[sflag:s12] =	ssyncadd.s32 $0xFFFFEC00  }
0x2c: {  	[bflag:$0x0] =	sbarrier.arrive $0xFFFF;
	_ =	sdelay $0x1  }
.LBB2_1:
0x2d: {  	s1 =	rddreg [dreg:$0x3]  }
0x2e: {  	[tilespmem:s3], [sflag:$0x9] =	stream.linear.gather [hbm4b:s1+s3], $0x5000, $0x38;
	[tilespmem:$0x1BD00] =	vst v63  }
0x2f: {  	_ =	swait.ge [sflag:s12], $0x5000  }
0x30: {  	[sflag:s12] =	ssyncset.done $0x0  }
0x31: {  	s26 =	rddreg [dreg:$0x4];
	[sflag:s12] =	ssyncadd.s32 $0xFFFFB000  }
0x32: {  	[tilespmem:s13], [sflag:$0x9] =	stream.linear.gather [hbm4b:s26+s3], $0x5000, $0x38;
	[tilespmem:$0x1BD00] =	vst v63  }
0x33: {  	_ =	swait.ge [sflag:s12], $0x5000  }
0x34: {  	[sflag:s12] =	ssyncset.done $0x0  }
0x35: {  	[sflag:s12] =	ssyncadd.s32 $0xFFFFB000  }
0x36: {  	[spmem:s15], [sflag:s14] =	dma.local [hbm:s6], $0x1400  }
0x37: {  	_ =	swait.ge [sflag:s12], $0x1400  }
0x38: {  	[sflag:s12] =	ssyncset.done $0x0  }
0x39: {  	[sflag:s12] =	ssyncadd.s32 $0xFFFFEC00  }
0x3a: {  	[bflag:$0x0] =	sbarrier.arrive $0xFFFF  }
0x3b: {  	[tilespmem:s17], [sflag:$0x1] =	stream.indirect.gather [hbm4b:s7+s16], $0x40, s3, s16, $0xb8;
	[tilespmem:$0x1BD00] =	vst v63  }
0x3c: {  	s29 =	simm.s32 $0x80  }
0x3d: {  	[tilespmem:s19], [sflag:$0x2] =	stream.indirect.gather [hbm4b:s7+s16], $0x40, s29, s16, $0xb8;
	[tilespmem:$0x1BD00] =	vst v63  }
0x3e: {  	s31 =	simm.s32 $0x100  }
0x3f: {  	[tilespmem:s21], [sflag:$0x3] =	stream.indirect.gather [hbm4b:s7+s16], $0x40, s31, s16, $0xb8;
	[tilespmem:$0x1BD00] =	vst v63  }
0x40: {  	_ =	swait.ge [sflag:s22], $0x1F40  }
0x41: {  	[sflag:s22] =	ssyncset.done $0x0  }
0x42: {  	[sflag:s22] =	ssyncadd.s32 $0xFFFFE0C0  }
0x43: {  	[spmem:s2] =	stream.indirect.scatter.add.f32 [tilespmem:s17], [sflag:$0x5], $0x40, s13, s16, $0xb8;
	[tilespmem:$0x1BD00] =	vst v63  }
0x44: {  	s20 =	simm.s32 $0x180  }
0x45: {  	[tilespmem:s24], [sflag:$0x4] =	stream.indirect.gather [hbm4b:s7+s16], $0x40, s20, s16, $0xb8;
	[tilespmem:$0x1BD00] =	vst v63  }
0x46: {  	_ =	swait.ge [sflag:s25], $0x1F40  }
0x47: {  	[sflag:s25] =	ssyncset.done $0x0  }
0x48: {  	s23 =	simm.s32 $0x5080;
	[sflag:s25] =	ssyncadd.s32 $0xFFFFE0C0  }
0x49: {  	[spmem:s2] =	stream.indirect.scatter.add.f32 [tilespmem:s19], [sflag:$0x6], $0x40, s23, s16, $0xb8;
	[tilespmem:$0x1BD00] =	vst v63  }
0x4a: {  	_ =	swait.ge [sflag:s28], $0x1F40  }
0x4b: {  	[sflag:s28] =	ssyncset.done $0x0  }
0x4c: {  	s26 =	simm.s32 $0x200;
	[sflag:s28] =	ssyncadd.s32 $0xFFFFE0C0  }
0x4d: {  	[tilespmem:s17], [sflag:$0x1] =	stream.indirect.gather [hbm4b:s7+s16], $0x40, s26, s16, $0xb8;
	[tilespmem:$0x1BD00] =	vst v63  }
0x4e: {  	_ =	swait.ge [sflag:s30], $0x1F40  }
0x4f: {  	[sflag:s30] =	ssyncset.done $0x0  }
0x50: {  	s29 =	simm.s32 $0x5100;
	[sflag:s30] =	ssyncadd.s32 $0xFFFFE0C0  }
0x51: {  	[spmem:s2] =	stream.indirect.scatter.add.f32 [tilespmem:s21], [sflag:$0x7], $0x40, s29, s16, $0xb8;
	[tilespmem:$0x1BD00] =	vst v63  }
0x52: {  	_ =	swait.ge [sflag:s0], $0x1F40  }
0x53: {  	[sflag:s0] =	ssyncset.done $0x0  }
0x54: {  	s31 =	simm.s32 $0x280;
	[sflag:s0] =	ssyncadd.s32 $0xFFFFE0C0  }
0x55: {  	[tilespmem:s19], [sflag:$0x2] =	stream.indirect.gather [hbm4b:s7+s16], $0x40, s31, s16, $0xb8;
	[tilespmem:$0x1BD00] =	vst v63  }
0x56: {  	_ =	swait.ge [sflag:s4], $0x1F40  }
0x57: {  	[sflag:s4] =	ssyncset.done $0x0  }
0x58: {  	[sflag:s4] =	ssyncadd.s32 $0xFFFFE0C0  }
0x59: {  	[spmem:s2] =	stream.indirect.scatter.add.f32 [tilespmem:s24], [sflag:$0x8], $0x40, s5, s16, $0xb8;
	[tilespmem:$0x1BD00] =	vst v63  }
0x5a: {  	_ =	swait.ge [sflag:s8], $0x1F40  }
0x5b: {  	[sflag:s8] =	ssyncset.done $0x0  }
0x5c: {  	s20 =	simm.s32 $0x0;
	[sflag:s8] =	ssyncadd.s32 $0xFFFFE0C0  }
0x5d: {  	[tilespmem:s21], [sflag:$0x3] =	stream.indirect.gather [hbm4b:s7+s16], $0x40, s10, s16, $0xb8;
	[tilespmem:$0x1BD00] =	vst v63  }
.LBB2_2:
0x5e: {  	_ =	swait.ge [sflag:s22], $0x1F40  }
0x5f: {  	s23 =	sshra.s32 s20, $0x2;
	[sflag:s22] =	ssyncset.done $0x0  }
0x60: {  	s26 =	sadd.s32 $0x5200, s23;
	[sflag:s22] =	ssyncadd.s32 $0xFFFFE0C0  }
0x61: {  	[spmem:s2] =	stream.indirect.scatter.add.f32 [tilespmem:s17], [sflag:$0x5], $0x40, s26, s16, $0xb8;
	[tilespmem:$0x1BD00] =	vst v63  }
0x62: {  	_ =	swait.ge [sflag:s11], $0x1F40  }
0x63: {  	[sflag:s11] =	ssyncset.done $0x0  }
0x64: {  	s1 =	sadd.s32 $0x380, s23;
	[sflag:s11] =	ssyncadd.s32 $0xFFFFE0C0  }
0x65: {  	[tilespmem:s24], [sflag:$0x4] =	stream.indirect.gather [hbm4b:s7+s16], $0x40, s1, s16, $0xb8;
	[tilespmem:$0x1BD00] =	vst v63  }
0x66: {  	_ =	swait.ge [sflag:s25], $0x1F40  }
0x67: {  	p0 =	seq.s32 s20, $0x13000;
	[sflag:s25] =	ssyncset.done $0x0  }
0x68: {  	s29 =	sadd.s32 $0x5280, s23;
	s26 =	simm.s32 @p0 $0x3;
	[sflag:s25] =	ssyncadd.s32 $0xFFFFE0C0  }
0x69: {  	[spmem:s2] =	stream.indirect.scatter.add.f32 [tilespmem:s19], [sflag:$0x6], $0x40, s29, s16, $0xb8;
	[tilespmem:$0x1BD00] =	vst v63  }
0x6a: {  	_ =	swait.ge @p0 [sflag:s26], $0x1F40  }
0x6b: {  	[sflag:s26] =	ssyncset.done @p0 $0x0  }
0x6c: {  	[sflag:s26] =	ssyncadd.s32 @p0 $0xFFFFE0C0;
	s26 =	sshra.s32 @p0 s20, $0x2  }
0x6d: {  	s31 =	simm.s32 @p0 $0xDE80;
	s29 =	simm.s32 @p0 $0x7D;
	s26 =	sadd.s32 @p0 $0x5300, s26  }
0x6e: {  	[spmem:s2] =	stream.indirect.scatter.add.f32 @p0 [tilespmem:s31], [sflag:$0x7], $0x40, s26, s29, $0xb8;
	[tilespmem:$0x1BD00] =	vst v63  }
0x6f: {  	s26 =	simm.s32 @!p0 $0x5  }
0x70: {  	_ =	swait.ge @!p0 [sflag:s26], $0x1F40  }
0x71: {  	[sflag:s26] =	ssyncset.done @!p0 $0x0  }
0x72: {  	[sflag:s26] =	ssyncadd.s32 @!p0 $0xFFFFE0C0;
	s26 =	sshra.s32 @!p0 s20, $0x2  }
0x73: {  	s1 =	simm.s32 @!p0 $0xA000;
	s31 =	simm.s32 @!p0 $0x7D;
	s29 =	sadd.s32 @!p0 $0x400, s26  }
0x74: {  	[tilespmem:s1], [sflag:$0x1] =	stream.indirect.gather @!p0 [hbm4b:s7+s31], $0x40, s29, s31, $0xb8;
	[tilespmem:$0x1BD00] =	vst v63  }
0x75: {  	s1 =	simm.s32 @!p0 $0x3  }
0x76: {  	_ =	swait.ge @!p0 [sflag:s1], $0x1F40  }
0x77: {  	[sflag:s1] =	ssyncset.done @!p0 $0x0  }
0x78: {  	s29 =	simm.s32 @!p0 $0xDE80;
	[sflag:s1] =	ssyncadd.s32 @!p0 $0xFFFFE0C0;
	s1 =	sadd.s32 @!p0 $0x5300, s26  }
0x79: {  	[spmem:s2] =	stream.indirect.scatter.add.f32 @!p0 [tilespmem:s29], [sflag:$0x7], $0x40, s1, s31, $0xb8;
	[tilespmem:$0x1BD00] =	vst v63  }
0x7a: {  	s1 =	simm.s32 @!p0 $0x6  }
0x7b: {  	_ =	swait.ge @!p0 [sflag:s1], $0x1F40  }
0x7c: {  	[sflag:s1] =	ssyncset.done @!p0 $0x0  }
0x7d: {  	[sflag:s1] =	ssyncadd.s32 @!p0 $0xFFFFE0C0;
	s1 =	sadd.s32 @!p0 $0x480, s26;
	s26 =	simm.s32 @!p0 $0xBF40  }
0x7e: {  	[tilespmem:s26], [sflag:$0x2] =	stream.indirect.gather @!p0 [hbm4b:s7+s31], $0x40, s1, s31, $0xb8;
	[tilespmem:$0x1BD00] =	vst v63  }
.Ltmp2:
0x7f: {  	_ = 	snop;
	(pc) =	sbr.rel @p0 .LBB2_4-.Ltmp2, $4  }
0x80: {  	_ =	swait.ge [sflag:s4], $0x1F40  }
0x81: {  	[sflag:s4] =	ssyncset.done $0x0  }
0x82: {  	s31 =	sadd.s32 $0x5380, s23;
	[sflag:s4] =	ssyncadd.s32 $0xFFFFE0C0  }
0x83: {  	[spmem:s2] =	stream.indirect.scatter.add.f32 [tilespmem:s24], [sflag:$0x8], $0x40, s31, s16, $0xb8;
	[tilespmem:$0x1BD00] =	vst v63  }
.Ltmp3:
0x84: {  	(pc) =	sbr.rel .LBB2_2-.Ltmp3, $4  }
0x85: {  	_ =	swait.ge [sflag:s8], $0x1F40  }
0x86: {  	[sflag:s8] =	ssyncset.done $0x0  }
0x87: {  	s1 =	sadd.s32 $0x500, s23;
	s20 =	sadd.s32 $0x800, s20;
	[sflag:s8] =	ssyncadd.s32 $0xFFFFE0C0  }
0x88: {  	[tilespmem:s21], [sflag:$0x3] =	stream.indirect.gather [hbm4b:s7+s16], $0x40, s1, s16, $0xb8;
	[tilespmem:$0x1BD00] =	vst v63  }
.LBB2_4:
0x89: {  	_ =	swait.ge [sflag:s28], $0x1F40  }
0x8a: {  	[sflag:s28] =	ssyncset.done $0x0  }
0x8b: {  	[sflag:s28] =	ssyncadd.s32 $0xFFFFE0C0  }
0x8c: {  	_ =	swait.ge [sflag:s0], $0x1F40  }
0x8d: {  	[sflag:s0] =	ssyncset.done $0x0  }
0x8e: {  	[sflag:s0] =	ssyncadd.s32 $0xFFFFE0C0  }
0x8f: {  	_ =	swait.ge [sflag:s8], $0x1F40  }
0x90: {  	[sflag:s8] =	ssyncset.done $0x0  }
0x91: {  	[sflag:s8] =	ssyncadd.s32 $0xFFFFE0C0  }
0x92: {  	_ =	swait.ge [sflag:s11], $0x1F40  }
0x93: {  	[sflag:s11] =	ssyncset.done $0x0  }
0x94: {  	[sflag:s11] =	ssyncadd.s32 $0xFFFFE0C0  }
0x95: {  	[bflag:$0x0] =	sbarrier.arrive $0xFFFF  }
0x96: {  	s1 =	rddreg [dreg:$0x5]  }
0x97: {  	[hbm:s1], [sflag:s14] =	dma.local [spmem:s15], $0x1400  }
0x98: {  	_ =	swait.ge [sflag:s12], $0x1400  }
0x99: {  	[sflag:s12] =	ssyncset.done $0x0  }
0x9a: {  	[sflag:s12] =	ssyncadd.s32 $0xFFFFEC00  }
0x9b: {  	[bflag:$0x0] =	sbarrier.arrive $0xFFFF  }
0x9c: {  	[spmem:s15], [sflag:s14] =	dma.local [hbm:s6], $0x1400  }
0x9d: {  	_ =	swait.ge [sflag:s12], $0x1400  }
0x9e: {  	[sflag:s12] =	ssyncset.done $0x0  }
0x9f: {  	[sflag:s12] =	ssyncadd.s32 $0xFFFFEC00  }
0xa0: {  	s20 =	simm.s32 $0x0;
	[bflag:$0x0] =	sbarrier.arrive $0xFFFF  }
0xa1: {  	[tilespmem:s17], [sflag:$0x1] =	stream.indirect.gather [hbm4b:s9+s16], $0x40, s20, s16, $0xb8;
	[tilespmem:$0x1BD00] =	vst v63  }
0xa2: {  	s26 =	simm.s32 $0x80  }
0xa3: {  	[tilespmem:s19], [sflag:$0x2] =	stream.indirect.gather [hbm4b:s9+s16], $0x40, s26, s16, $0xb8;
	[tilespmem:$0x1BD00] =	vst v63  }
0xa4: {  	s29 =	simm.s32 $0x100  }
0xa5: {  	[tilespmem:s21], [sflag:$0x3] =	stream.indirect.gather [hbm4b:s9+s16], $0x40, s29, s16, $0xb8;
	[tilespmem:$0x1BD00] =	vst v63  }
0xa6: {  	_ =	swait.ge [sflag:s22], $0x1F40  }
0xa7: {  	[sflag:s22] =	ssyncset.done $0x0  }
0xa8: {  	[sflag:s22] =	ssyncadd.s32 $0xFFFFE0C0  }
0xa9: {  	[spmem:s2] =	stream.indirect.scatter.add.f32 [tilespmem:s17], [sflag:$0x5], $0x40, s13, s16, $0xb8;
	[tilespmem:$0x1BD00] =	vst v63  }
0xaa: {  	s31 =	simm.s32 $0x180  }
0xab: {  	[tilespmem:s24], [sflag:$0x4] =	stream.indirect.gather [hbm4b:s9+s16], $0x40, s31, s16, $0xb8;
	[tilespmem:$0x1BD00] =	vst v63  }
0xac: {  	_ =	swait.ge [sflag:s25], $0x1F40  }
0xad: {  	[sflag:s25] =	ssyncset.done $0x0  }
0xae: {  	s23 =	simm.s32 $0x5080;
	[sflag:s25] =	ssyncadd.s32 $0xFFFFE0C0  }
0xaf: {  	[spmem:s2] =	stream.indirect.scatter.add.f32 [tilespmem:s19], [sflag:$0x6], $0x40, s23, s16, $0xb8;
	[tilespmem:$0x1BD00] =	vst v63  }
0xb0: {  	_ =	swait.ge [sflag:s28], $0x1F40  }
0xb1: {  	[sflag:s28] =	ssyncset.done $0x0  }
0xb2: {  	s26 =	simm.s32 $0x200;
	[sflag:s28] =	ssyncadd.s32 $0xFFFFE0C0  }
0xb3: {  	[tilespmem:s17], [sflag:$0x1] =	stream.indirect.gather [hbm4b:s9+s16], $0x40, s26, s16, $0xb8;
	[tilespmem:$0x1BD00] =	vst v63  }
0xb4: {  	_ =	swait.ge [sflag:s30], $0x1F40  }
0xb5: {  	[sflag:s30] =	ssyncset.done $0x0  }
0xb6: {  	s29 =	simm.s32 $0x5100;
	[sflag:s30] =	ssyncadd.s32 $0xFFFFE0C0  }
0xb7: {  	[spmem:s2] =	stream.indirect.scatter.add.f32 [tilespmem:s21], [sflag:$0x7], $0x40, s29, s16, $0xb8;
	[tilespmem:$0x1BD00] =	vst v63  }
0xb8: {  	_ =	swait.ge [sflag:s0], $0x1F40  }
0xb9: {  	[sflag:s0] =	ssyncset.done $0x0  }
0xba: {  	s31 =	simm.s32 $0x280;
	[sflag:s0] =	ssyncadd.s32 $0xFFFFE0C0  }
0xbb: {  	[tilespmem:s19], [sflag:$0x2] =	stream.indirect.gather [hbm4b:s9+s16], $0x40, s31, s16, $0xb8;
	[tilespmem:$0x1BD00] =	vst v63  }
0xbc: {  	_ =	swait.ge [sflag:s4], $0x1F40  }
0xbd: {  	[sflag:s4] =	ssyncset.done $0x0  }
0xbe: {  	[sflag:s4] =	ssyncadd.s32 $0xFFFFE0C0  }
0xbf: {  	[spmem:s2] =	stream.indirect.scatter.add.f32 [tilespmem:s24], [sflag:$0x8], $0x40, s5, s16, $0xb8;
	[tilespmem:$0x1BD00] =	vst v63  }
0xc0: {  	_ =	swait.ge [sflag:s8], $0x1F40  }
0xc1: {  	[sflag:s8] =	ssyncset.done $0x0  }
0xc2: {  	[sflag:s8] =	ssyncadd.s32 $0xFFFFE0C0  }
0xc3: {  	[tilespmem:s21], [sflag:$0x3] =	stream.indirect.gather [hbm4b:s9+s16], $0x40, s10, s16, $0xb8;
	[tilespmem:$0x1BD00] =	vst v63  }
.LBB2_5:
0xc4: {  	_ =	swait.ge [sflag:s22], $0x1F40  }
0xc5: {  	s23 =	sshra.s32 s20, $0x2;
	[sflag:s22] =	ssyncset.done $0x0  }
0xc6: {  	s1 =	sadd.s32 $0x5200, s23;
	[sflag:s22] =	ssyncadd.s32 $0xFFFFE0C0  }
0xc7: {  	[spmem:s2] =	stream.indirect.scatter.add.f32 [tilespmem:s17], [sflag:$0x5], $0x40, s1, s16, $0xb8;
	[tilespmem:$0x1BD00] =	vst v63  }
0xc8: {  	_ =	swait.ge [sflag:s11], $0x1F40  }
0xc9: {  	[sflag:s11] =	ssyncset.done $0x0  }
0xca: {  	s26 =	sadd.s32 $0x380, s23;
	[sflag:s11] =	ssyncadd.s32 $0xFFFFE0C0  }
0xcb: {  	[tilespmem:s24], [sflag:$0x4] =	stream.indirect.gather [hbm4b:s9+s16], $0x40, s26, s16, $0xb8;
	[tilespmem:$0x1BD00] =	vst v63  }
0xcc: {  	_ =	swait.ge [sflag:s25], $0x1F40  }
0xcd: {  	p0 =	seq.s32 s20, $0x13000;
	[sflag:s25] =	ssyncset.done $0x0  }
0xce: {  	s29 =	sadd.s32 $0x5280, s23;
	s1 =	simm.s32 @p0 $0x3;
	[sflag:s25] =	ssyncadd.s32 $0xFFFFE0C0  }
0xcf: {  	[spmem:s2] =	stream.indirect.scatter.add.f32 [tilespmem:s19], [sflag:$0x6], $0x40, s29, s16, $0xb8;
	[tilespmem:$0x1BD00] =	vst v63  }
0xd0: {  	_ =	swait.ge @p0 [sflag:s1], $0x1F40  }
0xd1: {  	[sflag:s1] =	ssyncset.done @p0 $0x0  }
0xd2: {  	[sflag:s1] =	ssyncadd.s32 @p0 $0xFFFFE0C0;
	s1 =	sshra.s32 @p0 s20, $0x2  }
0xd3: {  	s26 =	simm.s32 @p0 $0x7D;
	s29 =	simm.s32 @p0 $0xDE80;
	s1 =	sadd.s32 @p0 $0x5300, s1  }
0xd4: {  	[spmem:s2] =	stream.indirect.scatter.add.f32 @p0 [tilespmem:s29], [sflag:$0x7], $0x40, s1, s26, $0xb8;
	[tilespmem:$0x1BD00] =	vst v63  }
0xd5: {  	s1 =	simm.s32 @!p0 $0x5  }
0xd6: {  	_ =	swait.ge @!p0 [sflag:s1], $0x1F40  }
0xd7: {  	[sflag:s1] =	ssyncset.done @!p0 $0x0  }
0xd8: {  	[sflag:s1] =	ssyncadd.s32 @!p0 $0xFFFFE0C0;
	s1 =	sshra.s32 @!p0 s20, $0x2  }
0xd9: {  	s31 =	simm.s32 @!p0 $0xA000;
	s29 =	simm.s32 @!p0 $0x7D;
	s26 =	sadd.s32 @!p0 $0x400, s1  }
0xda: {  	[tilespmem:s31], [sflag:$0x1] =	stream.indirect.gather @!p0 [hbm4b:s9+s29], $0x40, s26, s29, $0xb8;
	[tilespmem:$0x1BD00] =	vst v63  }
0xdb: {  	s26 =	simm.s32 @!p0 $0x3  }
0xdc: {  	_ =	swait.ge @!p0 [sflag:s26], $0x1F40  }
0xdd: {  	[sflag:s26] =	ssyncset.done @!p0 $0x0  }
0xde: {  	s31 =	simm.s32 @!p0 $0xDE80;
	[sflag:s26] =	ssyncadd.s32 @!p0 $0xFFFFE0C0;
	s26 =	sadd.s32 @!p0 $0x5300, s1  }
0xdf: {  	[spmem:s2] =	stream.indirect.scatter.add.f32 @!p0 [tilespmem:s31], [sflag:$0x7], $0x40, s26, s29, $0xb8;
	[tilespmem:$0x1BD00] =	vst v63  }
0xe0: {  	s26 =	simm.s32 @!p0 $0x6  }
0xe1: {  	_ =	swait.ge @!p0 [sflag:s26], $0x1F40  }
0xe2: {  	[sflag:s26] =	ssyncset.done @!p0 $0x0  }
0xe3: {  	s1 =	sadd.s32 @!p0 $0x480, s1;
	[sflag:s26] =	ssyncadd.s32 @!p0 $0xFFFFE0C0;
	s26 =	simm.s32 @!p0 $0xBF40  }
0xe4: {  	[tilespmem:s26], [sflag:$0x2] =	stream.indirect.gather @!p0 [hbm4b:s9+s29], $0x40, s1, s29, $0xb8;
	[tilespmem:$0x1BD00] =	vst v63  }
.Ltmp4:
0xe5: {  	_ = 	snop;
	(pc) =	sbr.rel @p0 .LBB2_7-.Ltmp4, $4  }
0xe6: {  	_ =	swait.ge [sflag:s4], $0x1F40  }
0xe7: {  	[sflag:s4] =	ssyncset.done $0x0  }
0xe8: {  	s31 =	sadd.s32 $0x5380, s23;
	[sflag:s4] =	ssyncadd.s32 $0xFFFFE0C0  }
0xe9: {  	[spmem:s2] =	stream.indirect.scatter.add.f32 [tilespmem:s24], [sflag:$0x8], $0x40, s31, s16, $0xb8;
	[tilespmem:$0x1BD00] =	vst v63  }
.Ltmp5:
0xea: {  	(pc) =	sbr.rel .LBB2_5-.Ltmp5, $4  }
0xeb: {  	_ =	swait.ge [sflag:s8], $0x1F40  }
0xec: {  	[sflag:s8] =	ssyncset.done $0x0  }
0xed: {  	s1 =	sadd.s32 $0x500, s23;
	s20 =	sadd.s32 $0x800, s20;
	[sflag:s8] =	ssyncadd.s32 $0xFFFFE0C0  }
0xee: {  	[tilespmem:s21], [sflag:$0x3] =	stream.indirect.gather [hbm4b:s9+s16], $0x40, s1, s16, $0xb8;
	[tilespmem:$0x1BD00] =	vst v63  }
.LBB2_8:
0xef: {  	_ =	sfence.sel $0x180000  }
0xf0: {  	[bflag:$0x0] =	sbarrier.arrive $0xFFFF  }
0xf1: {  	_ =	strace $0x9000004A  }
0xf2: {  	s0 =	stileid.u32;
	[bflag:$0x2] =	sbarrier.arrive $0xFFFF  }
0xf3: {  	p0 =	sne.s32 s0, $0x0;
	s0 =	rddreg [dreg:$0x2]  }
0xf4: {  	s0 =	sadd.s32 @!p0 $0x100000, s0  }
0xf5: {  	[sflag:s0] =	ssyncadd.tile.s32 @!p0 $0x1;
	_ =	shalt  }
.Lfunc_end2:
_tile_overlayer_lowered:
.L_overlay_start_2:
0xf6: {  	(tag) =	ssettag $0x2  }
0xf7: {  	s0 =	rddreg [dreg:$0x0];
	s2 =	stileid.u32  }
0xf8: {  	s1 =	rddreg [dreg:$0x1];
	p0 =	sne.s32 s2, $0x0  }
0xf9: {  	s3 =	rddreg [dreg:$0x2];
	[bflag:$0x3] =	sbarrier.arrive $0xFFFF;
	s2 =	simm.s32 @!p0 $0x1C09  }
0xfa: {  	[timem:s3], [sflag:s2] =	dma.local @!p0 [hbm:s0], s1  }
0xfb: {  	s0 =	simm.s32 @!p0 $0x9  }
0xfc: {  	_ =	swait.ge @!p0 [sflag:s0], s1  }
0xfd: {  	s1 =	ssub.s32 @!p0 $0x0, s1;
	[sflag:s0] =	ssyncset.done @!p0 $0x0  }
0xfe: {  	[sflag:s0] =	ssyncadd.s32 @!p0 s1  }
0xff: {  	[bflag:$0x3] =	sbarrier.arrive $0xFFFF  }
0x100: {  	_ =	shalt  }

</sc_bundles>
